<compile_context>
chip_gen: v7x
topology: tpu7x:2x2x1
jax: 0.10.2.dev20260603
libtpu: 0.0.44.dev20260713+nightly
codegen_flags: <defaults>
</compile_context>

<pallas_src>
import jax
import jax.numpy as jnp
from jax import lax
from jax.experimental import pallas as pl
from jax.experimental.pallas import tpu as pltpu
from jax.experimental.pallas import tpu_sc as plsc

B = 16384
D = 128
L = 16

_info = plsc.get_sparse_core_info()
_NC = _info.num_cores
_NW = _NC * _info.num_subcores
ROWS_PER_W = B // _NW
CHUNKS = (96, 160, 256)
NCH = len(CHUNKS)
OFFS = tuple(sum(CHUNKS[:c]) for c in range(NCH))
RPI = 2


def _sc_body(x_hbm, a_hbm, b_hbm, out_hbm, *refs):
    bufs = refs[2:2 + NCH]
    idx_a, idx_b = refs[0], refs[1]
    sem_i, sem_g, sem_w = refs[2 + NCH], refs[3 + NCH], refs[4 + NCH]
    wid = lax.axis_index("s") * _NC + lax.axis_index("c")
    base = wid * ROWS_PER_W

    ci_a = pltpu.async_copy(a_hbm.at[pl.ds(base, ROWS_PER_W)], idx_a, sem_i)
    ci_b = pltpu.async_copy(b_hbm.at[pl.ds(base, ROWS_PER_W)], idx_b, sem_i)
    ci_a.wait()
    ga = [pltpu.async_copy(x_hbm.at[idx_a.at[pl.ds(OFFS[c], CHUNKS[c])]],
                           bufs[c], sem_g.at[c])
          for c in range(NCH)]
    ci_b.wait()

    gb = [None] * NCH
    wb = [None] * NCH
    for c in range(NCH):
        ga[c].wait()

        def rows(t, carry, c=c):
            for r in range(RPI):
                for j in range(D // L):
                    i = t * RPI + r
                    sl = pl.ds(j * L, L)
                    bufs[c][i, sl] = -bufs[c][i, sl]
            return carry

        lax.fori_loop(0, CHUNKS[c] // RPI, rows, 0)

        gb[c] = pltpu.async_copy(x_hbm.at[idx_b.at[pl.ds(OFFS[c], CHUNKS[c])]],
                                 bufs[c], sem_g.at[c], add=True)
        if c > 0:
            gb[c - 1].wait()
            wb[c - 1] = pltpu.async_copy(
                bufs[c - 1], out_hbm.at[pl.ds(base + OFFS[c - 1], CHUNKS[c - 1])],
                sem_w.at[c - 1])

    gb[NCH - 1].wait()
    wb[NCH - 1] = pltpu.async_copy(
        bufs[NCH - 1], out_hbm.at[pl.ds(base + OFFS[NCH - 1], CHUNKS[NCH - 1])],
        sem_w.at[NCH - 1])
    for c in range(NCH):
        wb[c].wait()


def kernel(X, pref_a, pref_b):
    mesh = plsc.VectorSubcoreMesh(core_axis_name="c", subcore_axis_name="s")
    k = pl.kernel(
        _sc_body,
        out_type=jax.ShapeDtypeStruct((B, D), jnp.float32),
        mesh=mesh,
        scratch_types=[
            pltpu.VMEM((ROWS_PER_W,), jnp.int32),
            pltpu.VMEM((ROWS_PER_W,), jnp.int32),
            *[pltpu.VMEM((CHUNKS[c], D), jnp.float32) for c in range(NCH)],
            pltpu.SemaphoreType.DMA,
            pltpu.SemaphoreType.DMA((NCH,)),
            pltpu.SemaphoreType.DMA((NCH,)),
        ],
    )
    return k(X, pref_a.astype(jnp.int32), pref_b.astype(jnp.int32))

# --- scband reference (transcript-rebuilt; emitter-appended) ---
"""Pipeline reference for scband-pref-lookup-layer-5695126634930 (READ-ONLY COPY).

The authoritative reference and input builder live on the scoring server;
editing this copy changes nothing except your own understanding.
"""

import jax, jax.numpy as jnp
import numpy as np

def setup_inputs(seed: int = 0) -> dict:
    key = jax.random.key(seed)
    k1, k2, k3 = jax.random.split(key, 3)
    X = jax.random.normal(k1, (100000, 128), dtype=jnp.float32)
    pref_a = jax.random.randint(k2, (16384,), 0, 100000, dtype=jnp.int64 if jax.config.jax_enable_x64 else jnp.int32)
    pref_b = jax.random.randint(k3, (16384,), 0, 100000, dtype=jnp.int64 if jax.config.jax_enable_x64 else jnp.int32)
    return {"X": X, "pref_a": pref_a, "pref_b": pref_b}

def reference(X, pref_a, pref_b):
    X_a = jnp.take(X, pref_a, axis=0)
    X_b = jnp.take(X, pref_b, axis=0)
    return X_b - X_a

if __name__ == "__main__":
    import jax
    _d = setup_inputs()
    print(jax.jit(kernel)(*tuple(_d.values())))

</pallas_src>

<mosaic_0001>
#map = affine_map<(d0, d1) -> (0, 0)>
#map1 = affine_map<(d0, d1) -> (0)>
module attributes {stable_mosaic.version = 14 : i64} {
  func.func @_sc_body(%arg0: i32, %arg1: i32, %arg2: memref<100000x128xf32, #tpu.memory_space<hbm>>, %arg3: memref<16384xi32, #tpu.memory_space<hbm>>, %arg4: memref<16384xi32, #tpu.memory_space<hbm>>, %arg5: memref<16384x128xf32, #tpu.memory_space<hbm>>, %arg6: memref<512xi32, #tpu.memory_space<vmem>>, %arg7: memref<512xi32, #tpu.memory_space<vmem>>, %arg8: memref<96x128xf32, #tpu.memory_space<vmem>>, %arg9: memref<160x128xf32, #tpu.memory_space<vmem>>, %arg10: memref<256x128xf32, #tpu.memory_space<vmem>>, %arg11: memref<!tpu.dma_semaphore, #tpu.memory_space<semaphore_mem>>, %arg12: memref<3x!tpu.dma_semaphore, #tpu.memory_space<semaphore_mem>>, %arg13: memref<3x!tpu.dma_semaphore, #tpu.memory_space<semaphore_mem>>) attributes {dimension_semantics = [#tpu.dimension_semantics<core_parallel>, #tpu.dimension_semantics<subcore_parallel>], iteration_bounds = array<i64: 2, 16>, scalar_prefetch = 0 : i64, scratch_operands = 8 : i64, tpu.core_type = #tpu.core_type<sc_vector_subcore>, window_params = [{transform_indices = #map}, {transform_indices = #map1}, {transform_indices = #map1}, {transform_indices = #map}]} {
    %mul3A = arith.constant 2 : i32
    %mul3A_0 = arith.muli %arg1, %mul3A : i32
    %add3A = arith.addi %mul3A_0, %arg0 : i32
    %mul3A_1 = arith.constant 512 : i32
    %mul3A_2 = arith.muli %add3A, %mul3A_1 : i32
    %dma_start3A = tpu.memref_slice %arg3[%mul3A_2] : memref<16384xi32, #tpu.memory_space<hbm>> -> memref<512xi32, #tpu.memory_space<hbm>>
    %dma_start3A_3 = tpu.memref_slice %arg3[%mul3A_2] : memref<16384xi32, #tpu.memory_space<hbm>> -> memref<512xi32, #tpu.memory_space<hbm>>
    tpu.enqueue_dma source(%dma_start3A_3 : memref<512xi32, #tpu.memory_space<hbm>>) target(%arg6 : memref<512xi32, #tpu.memory_space<vmem>>) target_semaphore(%arg11 : memref<!tpu.dma_semaphore, #tpu.memory_space<semaphore_mem>>)
    %dma_start3A_4 = tpu.memref_slice %arg4[%mul3A_2] : memref<16384xi32, #tpu.memory_space<hbm>> -> memref<512xi32, #tpu.memory_space<hbm>>
    %dma_start3A_5 = tpu.memref_slice %arg4[%mul3A_2] : memref<16384xi32, #tpu.memory_space<hbm>> -> memref<512xi32, #tpu.memory_space<hbm>>
    tpu.enqueue_dma source(%dma_start3A_5 : memref<512xi32, #tpu.memory_space<hbm>>) target(%arg7 : memref<512xi32, #tpu.memory_space<vmem>>) target_semaphore(%arg11 : memref<!tpu.dma_semaphore, #tpu.memory_space<semaphore_mem>>)
    %dma_wait3A = tpu.memref_slice %arg3[%mul3A_2] : memref<16384xi32, #tpu.memory_space<hbm>> -> memref<512xi32, #tpu.memory_space<hbm>>
    %dma_wait3A_6 = tpu.memref_slice %arg3[%mul3A_2] : memref<16384xi32, #tpu.memory_space<hbm>> -> memref<512xi32, #tpu.memory_space<hbm>>
    tpu.wait_dma2 semaphore(%arg11 : memref<!tpu.dma_semaphore, #tpu.memory_space<semaphore_mem>>) src(%dma_wait3A_6 : memref<512xi32, #tpu.memory_space<hbm>>) dst(%arg6 : memref<512xi32, #tpu.memory_space<vmem>>)
    %dma_start3A_7 = arith.constant 0 : i32
    %dma_start3A_8 = arith.constant 0 : i32
    %dma_start3A_9 = tpu.memref_slice %arg6[%dma_start3A_8] : memref<512xi32, #tpu.memory_space<vmem>> -> memref<96xi32, #tpu.memory_space<vmem>>
    %dma_start3A_10 = arith.constant 0 : i32
    %dma_start3A_11 = arith.constant 0 : i32
    %dma_start3A_12 = tpu.memref_slice %arg2[%dma_start3A_10, %dma_start3A_11] : memref<100000x128xf32, #tpu.memory_space<hbm>> -> memref<100000x128xf32, #tpu.memory_space<hbm>>
    %dma_start3A_13 = tpu.memref_slice %arg12[%dma_start3A_7] : memref<3x!tpu.dma_semaphore, #tpu.memory_space<semaphore_mem>> -> memref<1x!tpu.dma_semaphore, #tpu.memory_space<semaphore_mem>>
    %dma_start3A_14 = tpu.memref_squeeze %dma_start3A_13 : memref<1x!tpu.dma_semaphore, #tpu.memory_space<semaphore_mem>> -> memref<!tpu.dma_semaphore, #tpu.memory_space<semaphore_mem>>
    tpu.enqueue_indirect_dma source(%dma_start3A_12 : memref<100000x128xf32, #tpu.memory_space<hbm>>) target(%arg8 : memref<96x128xf32, #tpu.memory_space<vmem>>) offsets(%dma_start3A_9 : memref<96xi32, #tpu.memory_space<vmem>>) semaphore(%dma_start3A_14 : memref<!tpu.dma_semaphore, #tpu.memory_space<semaphore_mem>>)
    %dma_start3A_15 = arith.constant 1 : i32
    %dma_start3A_16 = arith.constant 96 : i32
    %dma_start3A_17 = tpu.memref_slice %arg6[%dma_start3A_16] : memref<512xi32, #tpu.memory_space<vmem>> -> memref<160xi32, #tpu.memory_space<vmem>>
    %dma_start3A_18 = arith.constant 0 : i32
    %dma_start3A_19 = arith.constant 0 : i32
    %dma_start3A_20 = tpu.memref_slice %arg2[%dma_start3A_18, %dma_start3A_19] : memref<100000x128xf32, #tpu.memory_space<hbm>> -> memref<100000x128xf32, #tpu.memory_space<hbm>>
    %dma_start3A_21 = tpu.memref_slice %arg12[%dma_start3A_15] : memref<3x!tpu.dma_semaphore, #tpu.memory_space<semaphore_mem>> -> memref<1x!tpu.dma_semaphore, #tpu.memory_space<semaphore_mem>>
    %dma_start3A_22 = tpu.memref_squeeze %dma_start3A_21 : memref<1x!tpu.dma_semaphore, #tpu.memory_space<semaphore_mem>> -> memref<!tpu.dma_semaphore, #tpu.memory_space<semaphore_mem>>
    tpu.enqueue_indirect_dma source(%dma_start3A_20 : memref<100000x128xf32, #tpu.memory_space<hbm>>) target(%arg9 : memref<160x128xf32, #tpu.memory_space<vmem>>) offsets(%dma_start3A_17 : memref<160xi32, #tpu.memory_space<vmem>>) semaphore(%dma_start3A_22 : memref<!tpu.dma_semaphore, #tpu.memory_space<semaphore_mem>>)
    %dma_start3A_23 = arith.constant 2 : i32
    %dma_start3A_24 = arith.constant 256 : i32
    %dma_start3A_25 = tpu.memref_slice %arg6[%dma_start3A_24] : memref<512xi32, #tpu.memory_space<vmem>> -> memref<256xi32, #tpu.memory_space<vmem>>
    %dma_start3A_26 = arith.constant 0 : i32
    %dma_start3A_27 = arith.constant 0 : i32
    %dma_start3A_28 = tpu.memref_slice %arg2[%dma_start3A_26, %dma_start3A_27] : memref<100000x128xf32, #tpu.memory_space<hbm>> -> memref<100000x128xf32, #tpu.memory_space<hbm>>
    %dma_start3A_29 = tpu.memref_slice %arg12[%dma_start3A_23] : memref<3x!tpu.dma_semaphore, #tpu.memory_space<semaphore_mem>> -> memref<1x!tpu.dma_semaphore, #tpu.memory_space<semaphore_mem>>
    %dma_start3A_30 = tpu.memref_squeeze %dma_start3A_29 : memref<1x!tpu.dma_semaphore, #tpu.memory_space<semaphore_mem>> -> memref<!tpu.dma_semaphore, #tpu.memory_space<semaphore_mem>>
    tpu.enqueue_indirect_dma source(%dma_start3A_28 : memref<100000x128xf32, #tpu.memory_space<hbm>>) target(%arg10 : memref<256x128xf32, #tpu.memory_space<vmem>>) offsets(%dma_start3A_25 : memref<256xi32, #tpu.memory_space<vmem>>) semaphore(%dma_start3A_30 : memref<!tpu.dma_semaphore, #tpu.memory_space<semaphore_mem>>)
    %dma_wait3A_31 = tpu.memref_slice %arg4[%mul3A_2] : memref<16384xi32, #tpu.memory_space<hbm>> -> memref<512xi32, #tpu.memory_space<hbm>>
    %dma_wait3A_32 = tpu.memref_slice %arg4[%mul3A_2] : memref<16384xi32, #tpu.memory_space<hbm>> -> memref<512xi32, #tpu.memory_space<hbm>>
    tpu.wait_dma2 semaphore(%arg11 : memref<!tpu.dma_semaphore, #tpu.memory_space<semaphore_mem>>) src(%dma_wait3A_32 : memref<512xi32, #tpu.memory_space<hbm>>) dst(%arg7 : memref<512xi32, #tpu.memory_space<vmem>>)
    %dma_wait3A_33 = arith.constant 0 : i32
    %dma_wait3A_34 = arith.constant 0 : i32
    %dma_wait3A_35 = tpu.memref_slice %arg6[%dma_wait3A_34] : memref<512xi32, #tpu.memory_space<vmem>> -> memref<96xi32, #tpu.memory_space<vmem>>
    %dma_wait3A_36 = arith.constant 0 : i32
    %dma_wait3A_37 = arith.constant 0 : i32
    %dma_wait3A_38 = tpu.memref_slice %arg2[%dma_wait3A_36, %dma_wait3A_37] : memref<100000x128xf32, #tpu.memory_space<hbm>> -> memref<100000x128xf32, #tpu.memory_space<hbm>>
    %dma_wait3A_39 = tpu.memref_slice %arg12[%dma_wait3A_33] : memref<3x!tpu.dma_semaphore, #tpu.memory_space<semaphore_mem>> -> memref<1x!tpu.dma_semaphore, #tpu.memory_space<semaphore_mem>>
    %dma_wait3A_40 = tpu.memref_squeeze %dma_wait3A_39 : memref<1x!tpu.dma_semaphore, #tpu.memory_space<semaphore_mem>> -> memref<!tpu.dma_semaphore, #tpu.memory_space<semaphore_mem>>
    tpu.wait_indirect_dma semaphore(%dma_wait3A_40 : memref<!tpu.dma_semaphore, #tpu.memory_space<semaphore_mem>>) src(%dma_wait3A_38 : memref<100000x128xf32, #tpu.memory_space<hbm>>) dst(%arg8 : memref<96x128xf32, #tpu.memory_space<vmem>>)
    %scan3A = arith.constant 0 : i32
    %scan3A_41 = arith.constant 0 : i32
    %scan3A_42 = arith.constant 48 : i32
    %scan3A_43 = arith.addi %scan3A_41, %scan3A_42 : i32
    %scan3A_44 = arith.constant 1 : i32
    scf.for %scan3A_170 = %scan3A_41 to %scan3A_43 step %scan3A_44  : i32 {
      %mul3A_171 = arith.constant 2 : i32
      %mul3A_172 = arith.muli %scan3A_170, %mul3A_171 : i32
      %add3A_173 = arith.constant 0 : i32
      %add3A_174 = arith.addi %mul3A_172, %add3A_173 : i32
      %get3A = arith.index_cast %add3A_174 : i32 to index
      %get3A_175 = arith.constant 0 : index
      %get3A_176 = tpu.vector_load %arg8[%get3A, %get3A_175] {strides = array<i32>} : memref<96x128xf32, #tpu.memory_space<vmem>>, vector<1x16xf32>,
      %get3A_177 = vector.shape_cast %get3A_176 : vector<1x16xf32> to vector<16xf32>
      %neg3A = arith.constant 0.000000e+00 : f32
      %neg3A_178 = vector.broadcast %neg3A : f32 to vector<16xf32>
      %neg3A_179 = arith.subf %neg3A_178, %get3A_177 : vector<16xf32>
      %swap3A = arith.index_cast %add3A_174 : i32 to index
      %swap3A_180 = arith.constant 0 : index
      %swap3A_181 = tpu.vector_load %arg8[%swap3A, %swap3A_180] {strides = array<i32>} : memref<96x128xf32, #tpu.memory_space<vmem>>, vector<1x16xf32>,
      %swap3A_182 = vector.shape_cast %swap3A_181 : vector<1x16xf32> to vector<16xf32>
      %swap3A_183 = vector.shape_cast %neg3A_179 : vector<16xf32> to vector<1x16xf32>
      tpu.vector_store %arg8[%swap3A, %swap3A_180], %swap3A_183 {strides = array<i32>} : memref<96x128xf32, #tpu.memory_space<vmem>>, vector<1x16xf32>,
      %mul3A_184 = arith.constant 2 : i32
      %mul3A_185 = arith.muli %scan3A_170, %mul3A_184 : i32
      %add3A_186 = arith.constant 0 : i32
      %add3A_187 = arith.addi %mul3A_185, %add3A_186 : i32
      %get3A_188 = arith.index_cast %add3A_187 : i32 to index
      %get3A_189 = arith.constant 16 : index
      %get3A_190 = tpu.vector_load %arg8[%get3A_188, %get3A_189] {strides = array<i32>} : memref<96x128xf32, #tpu.memory_space<vmem>>, vector<1x16xf32>,
      %get3A_191 = vector.shape_cast %get3A_190 : vector<1x16xf32> to vector<16xf32>
      %neg3A_192 = arith.constant 0.000000e+00 : f32
      %neg3A_193 = vector.broadcast %neg3A_192 : f32 to vector<16xf32>
      %neg3A_194 = arith.subf %neg3A_193, %get3A_191 : vector<16xf32>
      %swap3A_195 = arith.index_cast %add3A_187 : i32 to index
      %swap3A_196 = arith.constant 16 : index
      %swap3A_197 = tpu.vector_load %arg8[%swap3A_195, %swap3A_196] {strides = array<i32>} : memref<96x128xf32, #tpu.memory_space<vmem>>, vector<1x16xf32>,
      %swap3A_198 = vector.shape_cast %swap3A_197 : vector<1x16xf32> to vector<16xf32>
      %swap3A_199 = vector.shape_cast %neg3A_194 : vector<16xf32> to vector<1x16xf32>
      tpu.vector_store %arg8[%swap3A_195, %swap3A_196], %swap3A_199 {strides = array<i32>} : memref<96x128xf32, #tpu.memory_space<vmem>>, vector<1x16xf32>,
      %mul3A_200 = arith.constant 2 : i32
      %mul3A_201 = arith.muli %scan3A_170, %mul3A_200 : i32
      %add3A_202 = arith.constant 0 : i32
      %add3A_203 = arith.addi %mul3A_201, %add3A_202 : i32
      %get3A_204 = arith.index_cast %add3A_203 : i32 to index
      %get3A_205 = arith.constant 32 : index
      %get3A_206 = tpu.vector_load %arg8[%get3A_204, %get3A_205] {strides = array<i32>} : memref<96x128xf32, #tpu.memory_space<vmem>>, vector<1x16xf32>,
      %get3A_207 = vector.shape_cast %get3A_206 : vector<1x16xf32> to vector<16xf32>
      %neg3A_208 = arith.constant 0.000000e+00 : f32
      %neg3A_209 = vector.broadcast %neg3A_208 : f32 to vector<16xf32>
      %neg3A_210 = arith.subf %neg3A_209, %get3A_207 : vector<16xf32>
      %swap3A_211 = arith.index_cast %add3A_203 : i32 to index
      %swap3A_212 = arith.constant 32 : index
      %swap3A_213 = tpu.vector_load %arg8[%swap3A_211, %swap3A_212] {strides = array<i32>} : memref<96x128xf32, #tpu.memory_space<vmem>>, vector<1x16xf32>,
      %swap3A_214 = vector.shape_cast %swap3A_213 : vector<1x16xf32> to vector<16xf32>
      %swap3A_215 = vector.shape_cast %neg3A_210 : vector<16xf32> to vector<1x16xf32>
      tpu.vector_store %arg8[%swap3A_211, %swap3A_212], %swap3A_215 {strides = array<i32>} : memref<96x128xf32, #tpu.memory_space<vmem>>, vector<1x16xf32>,
      %mul3A_216 = arith.constant 2 : i32
      %mul3A_217 = arith.muli %scan3A_170, %mul3A_216 : i32
      %add3A_218 = arith.constant 0 : i32
      %add3A_219 = arith.addi %mul3A_217, %add3A_218 : i32
      %get3A_220 = arith.index_cast %add3A_219 : i32 to index
      %get3A_221 = arith.constant 48 : index
      %get3A_222 = tpu.vector_load %arg8[%get3A_220, %get3A_221] {strides = array<i32>} : memref<96x128xf32, #tpu.memory_space<vmem>>, vector<1x16xf32>,
      %get3A_223 = vector.shape_cast %get3A_222 : vector<1x16xf32> to vector<16xf32>
      %neg3A_224 = arith.constant 0.000000e+00 : f32
      %neg3A_225 = vector.broadcast %neg3A_224 : f32 to vector<16xf32>
      %neg3A_226 = arith.subf %neg3A_225, %get3A_223 : vector<16xf32>
      %swap3A_227 = arith.index_cast %add3A_219 : i32 to index
      %swap3A_228 = arith.constant 48 : index
      %swap3A_229 = tpu.vector_load %arg8[%swap3A_227, %swap3A_228] {strides = array<i32>} : memref<96x128xf32, #tpu.memory_space<vmem>>, vector<1x16xf32>,
      %swap3A_230 = vector.shape_cast %swap3A_229 : vector<1x16xf32> to vector<16xf32>
      %swap3A_231 = vector.shape_cast %neg3A_226 : vector<16xf32> to vector<1x16xf32>
      tpu.vector_store %arg8[%swap3A_227, %swap3A_228], %swap3A_231 {strides = array<i32>} : memref<96x128xf32, #tpu.memory_space<vmem>>, vector<1x16xf32>,
      %mul3A_232 = arith.constant 2 : i32
      %mul3A_233 = arith.muli %scan3A_170, %mul3A_232 : i32
      %add3A_234 = arith.constant 0 : i32
      %add3A_235 = arith.addi %mul3A_233, %add3A_234 : i32
      %get3A_236 = arith.index_cast %add3A_235 : i32 to index
      %get3A_237 = arith.constant 64 : index
      %get3A_238 = tpu.vector_load %arg8[%get3A_236, %get3A_237] {strides = array<i32>} : memref<96x128xf32, #tpu.memory_space<vmem>>, vector<1x16xf32>,
      %get3A_239 = vector.shape_cast %get3A_238 : vector<1x16xf32> to vector<16xf32>
      %neg3A_240 = arith.constant 0.000000e+00 : f32
      %neg3A_241 = vector.broadcast %neg3A_240 : f32 to vector<16xf32>
      %neg3A_242 = arith.subf %neg3A_241, %get3A_239 : vector<16xf32>
      %swap3A_243 = arith.index_cast %add3A_235 : i32 to index
      %swap3A_244 = arith.constant 64 : index
      %swap3A_245 = tpu.vector_load %arg8[%swap3A_243, %swap3A_244] {strides = array<i32>} : memref<96x128xf32, #tpu.memory_space<vmem>>, vector<1x16xf32>,
      %swap3A_246 = vector.shape_cast %swap3A_245 : vector<1x16xf32> to vector<16xf32>
      %swap3A_247 = vector.shape_cast %neg3A_242 : vector<16xf32> to vector<1x16xf32>
      tpu.vector_store %arg8[%swap3A_243, %swap3A_244], %swap3A_247 {strides = array<i32>} : memref<96x128xf32, #tpu.memory_space<vmem>>, vector<1x16xf32>,
      %mul3A_248 = arith.constant 2 : i32
      %mul3A_249 = arith.muli %scan3A_170, %mul3A_248 : i32
      %add3A_250 = arith.constant 0 : i32
      %add3A_251 = arith.addi %mul3A_249, %add3A_250 : i32
      %get3A_252 = arith.index_cast %add3A_251 : i32 to index
      %get3A_253 = arith.constant 80 : index
      %get3A_254 = tpu.vector_load %arg8[%get3A_252, %get3A_253] {strides = array<i32>} : memref<96x128xf32, #tpu.memory_space<vmem>>, vector<1x16xf32>,
      %get3A_255 = vector.shape_cast %get3A_254 : vector<1x16xf32> to vector<16xf32>
      %neg3A_256 = arith.constant 0.000000e+00 : f32
      %neg3A_257 = vector.broadcast %neg3A_256 : f32 to vector<16xf32>
      %neg3A_258 = arith.subf %neg3A_257, %get3A_255 : vector<16xf32>
      %swap3A_259 = arith.index_cast %add3A_251 : i32 to index
      %swap3A_260 = arith.constant 80 : index
      %swap3A_261 = tpu.vector_load %arg8[%swap3A_259, %swap3A_260] {strides = array<i32>} : memref<96x128xf32, #tpu.memory_space<vmem>>, vector<1x16xf32>,
      %swap3A_262 = vector.shape_cast %swap3A_261 : vector<1x16xf32> to vector<16xf32>
      %swap3A_263 = vector.shape_cast %neg3A_258 : vector<16xf32> to vector<1x16xf32>
      tpu.vector_store %arg8[%swap3A_259, %swap3A_260], %swap3A_263 {strides = array<i32>} : memref<96x128xf32, #tpu.memory_space<vmem>>, vector<1x16xf32>,
      %mul3A_264 = arith.constant 2 : i32
      %mul3A_265 = arith.muli %scan3A_170, %mul3A_264 : i32
      %add3A_266 = arith.constant 0 : i32
      %add3A_267 = arith.addi %mul3A_265, %add3A_266 : i32
      %get3A_268 = arith.index_cast %add3A_267 : i32 to index
      %get3A_269 = arith.constant 96 : index
      %get3A_270 = tpu.vector_load %arg8[%get3A_268, %get3A_269] {strides = array<i32>} : memref<96x128xf32, #tpu.memory_space<vmem>>, vector<1x16xf32>,
      %get3A_271 = vector.shape_cast %get3A_270 : vector<1x16xf32> to vector<16xf32>
      %neg3A_272 = arith.constant 0.000000e+00 : f32
      %neg3A_273 = vector.broadcast %neg3A_272 : f32 to vector<16xf32>
      %neg3A_274 = arith.subf %neg3A_273, %get3A_271 : vector<16xf32>
      %swap3A_275 = arith.index_cast %add3A_267 : i32 to index
      %swap3A_276 = arith.constant 96 : index
      %swap3A_277 = tpu.vector_load %arg8[%swap3A_275, %swap3A_276] {strides = array<i32>} : memref<96x128xf32, #tpu.memory_space<vmem>>, vector<1x16xf32>,
      %swap3A_278 = vector.shape_cast %swap3A_277 : vector<1x16xf32> to vector<16xf32>
      %swap3A_279 = vector.shape_cast %neg3A_274 : vector<16xf32> to vector<1x16xf32>
      tpu.vector_store %arg8[%swap3A_275, %swap3A_276], %swap3A_279 {strides = array<i32>} : memref<96x128xf32, #tpu.memory_space<vmem>>, vector<1x16xf32>,
      %mul3A_280 = arith.constant 2 : i32
      %mul3A_281 = arith.muli %scan3A_170, %mul3A_280 : i32
      %add3A_282 = arith.constant 0 : i32
      %add3A_283 = arith.addi %mul3A_281, %add3A_282 : i32
      %get3A_284 = arith.index_cast %add3A_283 : i32 to index
      %get3A_285 = arith.constant 112 : index
      %get3A_286 = tpu.vector_load %arg8[%get3A_284, %get3A_285] {strides = array<i32>} : memref<96x128xf32, #tpu.memory_space<vmem>>, vector<1x16xf32>,
      %get3A_287 = vector.shape_cast %get3A_286 : vector<1x16xf32> to vector<16xf32>
      %neg3A_288 = arith.constant 0.000000e+00 : f32
      %neg3A_289 = vector.broadcast %neg3A_288 : f32 to vector<16xf32>
      %neg3A_290 = arith.subf %neg3A_289, %get3A_287 : vector<16xf32>
      %swap3A_291 = arith.index_cast %add3A_283 : i32 to index
      %swap3A_292 = arith.constant 112 : index
      %swap3A_293 = tpu.vector_load %arg8[%swap3A_291, %swap3A_292] {strides = array<i32>} : memref<96x128xf32, #tpu.memory_space<vmem>>, vector<1x16xf32>,
      %swap3A_294 = vector.shape_cast %swap3A_293 : vector<1x16xf32> to vector<16xf32>
      %swap3A_295 = vector.shape_cast %neg3A_290 : vector<16xf32> to vector<1x16xf32>
      tpu.vector_store %arg8[%swap3A_291, %swap3A_292], %swap3A_295 {strides = array<i32>} : memref<96x128xf32, #tpu.memory_space<vmem>>, vector<1x16xf32>,
      %mul3A_296 = arith.constant 2 : i32
      %mul3A_297 = arith.muli %scan3A_170, %mul3A_296 : i32
      %add3A_298 = arith.constant 1 : i32
      %add3A_299 = arith.addi %mul3A_297, %add3A_298 : i32
      %get3A_300 = arith.index_cast %add3A_299 : i32 to index
      %get3A_301 = arith.constant 0 : index
      %get3A_302 = tpu.vector_load %arg8[%get3A_300, %get3A_301] {strides = array<i32>} : memref<96x128xf32, #tpu.memory_space<vmem>>, vector<1x16xf32>,
      %get3A_303 = vector.shape_cast %get3A_302 : vector<1x16xf32> to vector<16xf32>
      %neg3A_304 = arith.constant 0.000000e+00 : f32
      %neg3A_305 = vector.broadcast %neg3A_304 : f32 to vector<16xf32>
      %neg3A_306 = arith.subf %neg3A_305, %get3A_303 : vector<16xf32>
      %swap3A_307 = arith.index_cast %add3A_299 : i32 to index
      %swap3A_308 = arith.constant 0 : index
      %swap3A_309 = tpu.vector_load %arg8[%swap3A_307, %swap3A_308] {strides = array<i32>} : memref<96x128xf32, #tpu.memory_space<vmem>>, vector<1x16xf32>,
      %swap3A_310 = vector.shape_cast %swap3A_309 : vector<1x16xf32> to vector<16xf32>
      %swap3A_311 = vector.shape_cast %neg3A_306 : vector<16xf32> to vector<1x16xf32>
      tpu.vector_store %arg8[%swap3A_307, %swap3A_308], %swap3A_311 {strides = array<i32>} : memref<96x128xf32, #tpu.memory_space<vmem>>, vector<1x16xf32>,
      %mul3A_312 = arith.constant 2 : i32
      %mul3A_313 = arith.muli %scan3A_170, %mul3A_312 : i32
      %add3A_314 = arith.constant 1 : i32
      %add3A_315 = arith.addi %mul3A_313, %add3A_314 : i32
      %get3A_316 = arith.index_cast %add3A_315 : i32 to index
      %get3A_317 = arith.constant 16 : index
      %get3A_318 = tpu.vector_load %arg8[%get3A_316, %get3A_317] {strides = array<i32>} : memref<96x128xf32, #tpu.memory_space<vmem>>, vector<1x16xf32>,
      %get3A_319 = vector.shape_cast %get3A_318 : vector<1x16xf32> to vector<16xf32>
      %neg3A_320 = arith.constant 0.000000e+00 : f32
      %neg3A_321 = vector.broadcast %neg3A_320 : f32 to vector<16xf32>
      %neg3A_322 = arith.subf %neg3A_321, %get3A_319 : vector<16xf32>
      %swap3A_323 = arith.index_cast %add3A_315 : i32 to index
      %swap3A_324 = arith.constant 16 : index
      %swap3A_325 = tpu.vector_load %arg8[%swap3A_323, %swap3A_324] {strides = array<i32>} : memref<96x128xf32, #tpu.memory_space<vmem>>, vector<1x16xf32>,
      %swap3A_326 = vector.shape_cast %swap3A_325 : vector<1x16xf32> to vector<16xf32>
      %swap3A_327 = vector.shape_cast %neg3A_322 : vector<16xf32> to vector<1x16xf32>
      tpu.vector_store %arg8[%swap3A_323, %swap3A_324], %swap3A_327 {strides = array<i32>} : memref<96x128xf32, #tpu.memory_space<vmem>>, vector<1x16xf32>,
      %mul3A_328 = arith.constant 2 : i32
      %mul3A_329 = arith.muli %scan3A_170, %mul3A_328 : i32
      %add3A_330 = arith.constant 1 : i32
      %add3A_331 = arith.addi %mul3A_329, %add3A_330 : i32
      %get3A_332 = arith.index_cast %add3A_331 : i32 to index
      %get3A_333 = arith.constant 32 : index
      %get3A_334 = tpu.vector_load %arg8[%get3A_332, %get3A_333] {strides = array<i32>} : memref<96x128xf32, #tpu.memory_space<vmem>>, vector<1x16xf32>,
      %get3A_335 = vector.shape_cast %get3A_334 : vector<1x16xf32> to vector<16xf32>
      %neg3A_336 = arith.constant 0.000000e+00 : f32
      %neg3A_337 = vector.broadcast %neg3A_336 : f32 to vector<16xf32>
      %neg3A_338 = arith.subf %neg3A_337, %get3A_335 : vector<16xf32>
      %swap3A_339 = arith.index_cast %add3A_331 : i32 to index
      %swap3A_340 = arith.constant 32 : index
      %swap3A_341 = tpu.vector_load %arg8[%swap3A_339, %swap3A_340] {strides = array<i32>} : memref<96x128xf32, #tpu.memory_space<vmem>>, vector<1x16xf32>,
      %swap3A_342 = vector.shape_cast %swap3A_341 : vector<1x16xf32> to vector<16xf32>
      %swap3A_343 = vector.shape_cast %neg3A_338 : vector<16xf32> to vector<1x16xf32>
      tpu.vector_store %arg8[%swap3A_339, %swap3A_340], %swap3A_343 {strides = array<i32>} : memref<96x128xf32, #tpu.memory_space<vmem>>, vector<1x16xf32>,
      %mul3A_344 = arith.constant 2 : i32
      %mul3A_345 = arith.muli %scan3A_170, %mul3A_344 : i32
      %add3A_346 = arith.constant 1 : i32
      %add3A_347 = arith.addi %mul3A_345, %add3A_346 : i32
      %get3A_348 = arith.index_cast %add3A_347 : i32 to index
      %get3A_349 = arith.constant 48 : index
      %get3A_350 = tpu.vector_load %arg8[%get3A_348, %get3A_349] {strides = array<i32>} : memref<96x128xf32, #tpu.memory_space<vmem>>, vector<1x16xf32>,
      %get3A_351 = vector.shape_cast %get3A_350 : vector<1x16xf32> to vector<16xf32>
      %neg3A_352 = arith.constant 0.000000e+00 : f32
      %neg3A_353 = vector.broadcast %neg3A_352 : f32 to vector<16xf32>
      %neg3A_354 = arith.subf %neg3A_353, %get3A_351 : vector<16xf32>
      %swap3A_355 = arith.index_cast %add3A_347 : i32 to index
      %swap3A_356 = arith.constant 48 : index
      %swap3A_357 = tpu.vector_load %arg8[%swap3A_355, %swap3A_356] {strides = array<i32>} : memref<96x128xf32, #tpu.memory_space<vmem>>, vector<1x16xf32>,
      %swap3A_358 = vector.shape_cast %swap3A_357 : vector<1x16xf32> to vector<16xf32>
      %swap3A_359 = vector.shape_cast %neg3A_354 : vector<16xf32> to vector<1x16xf32>
      tpu.vector_store %arg8[%swap3A_355, %swap3A_356], %swap3A_359 {strides = array<i32>} : memref<96x128xf32, #tpu.memory_space<vmem>>, vector<1x16xf32>,
      %mul3A_360 = arith.constant 2 : i32
      %mul3A_361 = arith.muli %scan3A_170, %mul3A_360 : i32
      %add3A_362 = arith.constant 1 : i32
      %add3A_363 = arith.addi %mul3A_361, %add3A_362 : i32
      %get3A_364 = arith.index_cast %add3A_363 : i32 to index
      %get3A_365 = arith.constant 64 : index
      %get3A_366 = tpu.vector_load %arg8[%get3A_364, %get3A_365] {strides = array<i32>} : memref<96x128xf32, #tpu.memory_space<vmem>>, vector<1x16xf32>,
      %get3A_367 = vector.shape_cast %get3A_366 : vector<1x16xf32> to vector<16xf32>
      %neg3A_368 = arith.constant 0.000000e+00 : f32
      %neg3A_369 = vector.broadcast %neg3A_368 : f32 to vector<16xf32>
      %neg3A_370 = arith.subf %neg3A_369, %get3A_367 : vector<16xf32>
      %swap3A_371 = arith.index_cast %add3A_363 : i32 to index
      %swap3A_372 = arith.constant 64 : index
      %swap3A_373 = tpu.vector_load %arg8[%swap3A_371, %swap3A_372] {strides = array<i32>} : memref<96x128xf32, #tpu.memory_space<vmem>>, vector<1x16xf32>,
      %swap3A_374 = vector.shape_cast %swap3A_373 : vector<1x16xf32> to vector<16xf32>
      %swap3A_375 = vector.shape_cast %neg3A_370 : vector<16xf32> to vector<1x16xf32>
      tpu.vector_store %arg8[%swap3A_371, %swap3A_372], %swap3A_375 {strides = array<i32>} : memref<96x128xf32, #tpu.memory_space<vmem>>, vector<1x16xf32>,
      %mul3A_376 = arith.constant 2 : i32
      %mul3A_377 = arith.muli %scan3A_170, %mul3A_376 : i32
      %add3A_378 = arith.constant 1 : i32
      %add3A_379 = arith.addi %mul3A_377, %add3A_378 : i32
      %get3A_380 = arith.index_cast %add3A_379 : i32 to index
      %get3A_381 = arith.constant 80 : index
      %get3A_382 = tpu.vector_load %arg8[%get3A_380, %get3A_381] {strides = array<i32>} : memref<96x128xf32, #tpu.memory_space<vmem>>, vector<1x16xf32>,
      %get3A_383 = vector.shape_cast %get3A_382 : vector<1x16xf32> to vector<16xf32>
      %neg3A_384 = arith.constant 0.000000e+00 : f32
      %neg3A_385 = vector.broadcast %neg3A_384 : f32 to vector<16xf32>
      %neg3A_386 = arith.subf %neg3A_385, %get3A_383 : vector<16xf32>
      %swap3A_387 = arith.index_cast %add3A_379 : i32 to index
      %swap3A_388 = arith.constant 80 : index
      %swap3A_389 = tpu.vector_load %arg8[%swap3A_387, %swap3A_388] {strides = array<i32>} : memref<96x128xf32, #tpu.memory_space<vmem>>, vector<1x16xf32>,
      %swap3A_390 = vector.shape_cast %swap3A_389 : vector<1x16xf32> to vector<16xf32>
      %swap3A_391 = vector.shape_cast %neg3A_386 : vector<16xf32> to vector<1x16xf32>
      tpu.vector_store %arg8[%swap3A_387, %swap3A_388], %swap3A_391 {strides = array<i32>} : memref<96x128xf32, #tpu.memory_space<vmem>>, vector<1x16xf32>,
      %mul3A_392 = arith.constant 2 : i32
      %mul3A_393 = arith.muli %scan3A_170, %mul3A_392 : i32
      %add3A_394 = arith.constant 1 : i32
      %add3A_395 = arith.addi %mul3A_393, %add3A_394 : i32
      %get3A_396 = arith.index_cast %add3A_395 : i32 to index
      %get3A_397 = arith.constant 96 : index
      %get3A_398 = tpu.vector_load %arg8[%get3A_396, %get3A_397] {strides = array<i32>} : memref<96x128xf32, #tpu.memory_space<vmem>>, vector<1x16xf32>,
      %get3A_399 = vector.shape_cast %get3A_398 : vector<1x16xf32> to vector<16xf32>
      %neg3A_400 = arith.constant 0.000000e+00 : f32
      %neg3A_401 = vector.broadcast %neg3A_400 : f32 to vector<16xf32>
      %neg3A_402 = arith.subf %neg3A_401, %get3A_399 : vector<16xf32>
      %swap3A_403 = arith.index_cast %add3A_395 : i32 to index
      %swap3A_404 = arith.constant 96 : index
      %swap3A_405 = tpu.vector_load %arg8[%swap3A_403, %swap3A_404] {strides = array<i32>} : memref<96x128xf32, #tpu.memory_space<vmem>>, vector<1x16xf32>,
      %swap3A_406 = vector.shape_cast %swap3A_405 : vector<1x16xf32> to vector<16xf32>
      %swap3A_407 = vector.shape_cast %neg3A_402 : vector<16xf32> to vector<1x16xf32>
      tpu.vector_store %arg8[%swap3A_403, %swap3A_404], %swap3A_407 {strides = array<i32>} : memref<96x128xf32, #tpu.memory_space<vmem>>, vector<1x16xf32>,
      %mul3A_408 = arith.constant 2 : i32
      %mul3A_409 = arith.muli %scan3A_170, %mul3A_408 : i32
      %add3A_410 = arith.constant 1 : i32
      %add3A_411 = arith.addi %mul3A_409, %add3A_410 : i32
      %get3A_412 = arith.index_cast %add3A_411 : i32 to index
      %get3A_413 = arith.constant 112 : index
      %get3A_414 = tpu.vector_load %arg8[%get3A_412, %get3A_413] {strides = array<i32>} : memref<96x128xf32, #tpu.memory_space<vmem>>, vector<1x16xf32>,
      %get3A_415 = vector.shape_cast %get3A_414 : vector<1x16xf32> to vector<16xf32>
      %neg3A_416 = arith.constant 0.000000e+00 : f32
      %neg3A_417 = vector.broadcast %neg3A_416 : f32 to vector<16xf32>
      %neg3A_418 = arith.subf %neg3A_417, %get3A_415 : vector<16xf32>
      %swap3A_419 = arith.index_cast %add3A_411 : i32 to index
      %swap3A_420 = arith.constant 112 : index
      %swap3A_421 = tpu.vector_load %arg8[%swap3A_419, %swap3A_420] {strides = array<i32>} : memref<96x128xf32, #tpu.memory_space<vmem>>, vector<1x16xf32>,
      %swap3A_422 = vector.shape_cast %swap3A_421 : vector<1x16xf32> to vector<16xf32>
      %swap3A_423 = vector.shape_cast %neg3A_418 : vector<16xf32> to vector<1x16xf32>
      tpu.vector_store %arg8[%swap3A_419, %swap3A_420], %swap3A_423 {strides = array<i32>} : memref<96x128xf32, #tpu.memory_space<vmem>>, vector<1x16xf32>,
    }
    %scan3A_45 = arith.constant 48 : i32
    %dma_start3A_46 = arith.constant 0 : i32
    %dma_start3A_47 = arith.constant 0 : i32
    %dma_start3A_48 = tpu.memref_slice %arg7[%dma_start3A_47] : memref<512xi32, #tpu.memory_space<vmem>> -> memref<96xi32, #tpu.memory_space<vmem>>
    %dma_start3A_49 = arith.constant 0 : i32
    %dma_start3A_50 = arith.constant 0 : i32
    %dma_start3A_51 = tpu.memref_slice %arg2[%dma_start3A_49, %dma_start3A_50] : memref<100000x128xf32, #tpu.memory_space<hbm>> -> memref<100000x128xf32, #tpu.memory_space<hbm>>
    %dma_start3A_52 = tpu.memref_slice %arg12[%dma_start3A_46] : memref<3x!tpu.dma_semaphore, #tpu.memory_space<semaphore_mem>> -> memref<1x!tpu.dma_semaphore, #tpu.memory_space<semaphore_mem>>
    %dma_start3A_53 = tpu.memref_squeeze %dma_start3A_52 : memref<1x!tpu.dma_semaphore, #tpu.memory_space<semaphore_mem>> -> memref<!tpu.dma_semaphore, #tpu.memory_space<semaphore_mem>>
    tpu.enqueue_indirect_dma source(%dma_start3A_51 : memref<100000x128xf32, #tpu.memory_space<hbm>>) target(%arg8 : memref<96x128xf32, #tpu.memory_space<vmem>>) offsets(%dma_start3A_48 : memref<96xi32, #tpu.memory_space<vmem>>) semaphore(%dma_start3A_53 : memref<!tpu.dma_semaphore, #tpu.memory_space<semaphore_mem>>) {add = true}
    %dma_wait3A_54 = arith.constant 1 : i32
    %dma_wait3A_55 = arith.constant 96 : i32
    %dma_wait3A_56 = tpu.memref_slice %arg6[%dma_wait3A_55] : memref<512xi32, #tpu.memory_space<vmem>> -> memref<160xi32, #tpu.memory_space<vmem>>
    %dma_wait3A_57 = arith.constant 0 : i32
    %dma_wait3A_58 = arith.constant 0 : i32
    %dma_wait3A_59 = tpu.memref_slice %arg2[%dma_wait3A_57, %dma_wait3A_58] : memref<100000x128xf32, #tpu.memory_space<hbm>> -> memref<100000x128xf32, #tpu.memory_space<hbm>>
    %dma_wait3A_60 = tpu.memref_slice %arg12[%dma_wait3A_54] : memref<3x!tpu.dma_semaphore, #tpu.memory_space<semaphore_mem>> -> memref<1x!tpu.dma_semaphore, #tpu.memory_space<semaphore_mem>>
    %dma_wait3A_61 = tpu.memref_squeeze %dma_wait3A_60 : memref<1x!tpu.dma_semaphore, #tpu.memory_space<semaphore_mem>> -> memref<!tpu.dma_semaphore, #tpu.memory_space<semaphore_mem>>
    tpu.wait_indirect_dma semaphore(%dma_wait3A_61 : memref<!tpu.dma_semaphore, #tpu.memory_space<semaphore_mem>>) src(%dma_wait3A_59 : memref<100000x128xf32, #tpu.memory_space<hbm>>) dst(%arg9 : memref<160x128xf32, #tpu.memory_space<vmem>>)
    %scan3A_62 = arith.constant 0 : i32
    %scan3A_63 = arith.constant 0 : i32
    %scan3A_64 = arith.constant 80 : i32
    %scan3A_65 = arith.addi %scan3A_63, %scan3A_64 : i32
    %scan3A_66 = arith.constant 1 : i32
    scf.for %scan3A_170 = %scan3A_63 to %scan3A_65 step %scan3A_66  : i32 {
      %mul3A_171 = arith.constant 2 : i32
      %mul3A_172 = arith.muli %scan3A_170, %mul3A_171 : i32
      %add3A_173 = arith.constant 0 : i32
      %add3A_174 = arith.addi %mul3A_172, %add3A_173 : i32
      %get3A = arith.index_cast %add3A_174 : i32 to index
      %get3A_175 = arith.constant 0 : index
      %get3A_176 = tpu.vector_load %arg9[%get3A, %get3A_175] {strides = array<i32>} : memref<160x128xf32, #tpu.memory_space<vmem>>, vector<1x16xf32>,
      %get3A_177 = vector.shape_cast %get3A_176 : vector<1x16xf32> to vector<16xf32>
      %neg3A = arith.constant 0.000000e+00 : f32
      %neg3A_178 = vector.broadcast %neg3A : f32 to vector<16xf32>
      %neg3A_179 = arith.subf %neg3A_178, %get3A_177 : vector<16xf32>
      %swap3A = arith.index_cast %add3A_174 : i32 to index
      %swap3A_180 = arith.constant 0 : index
      %swap3A_181 = tpu.vector_load %arg9[%swap3A, %swap3A_180] {strides = array<i32>} : memref<160x128xf32, #tpu.memory_space<vmem>>, vector<1x16xf32>,
      %swap3A_182 = vector.shape_cast %swap3A_181 : vector<1x16xf32> to vector<16xf32>
      %swap3A_183 = vector.shape_cast %neg3A_179 : vector<16xf32> to vector<1x16xf32>
      tpu.vector_store %arg9[%swap3A, %swap3A_180], %swap3A_183 {strides = array<i32>} : memref<160x128xf32, #tpu.memory_space<vmem>>, vector<1x16xf32>,
      %mul3A_184 = arith.constant 2 : i32
      %mul3A_185 = arith.muli %scan3A_170, %mul3A_184 : i32
      %add3A_186 = arith.constant 0 : i32
      %add3A_187 = arith.addi %mul3A_185, %add3A_186 : i32
      %get3A_188 = arith.index_cast %add3A_187 : i32 to index
      %get3A_189 = arith.constant 16 : index
      %get3A_190 = tpu.vector_load %arg9[%get3A_188, %get3A_189] {strides = array<i32>} : memref<160x128xf32, #tpu.memory_space<vmem>>, vector<1x16xf32>,
      %get3A_191 = vector.shape_cast %get3A_190 : vector<1x16xf32> to vector<16xf32>
      %neg3A_192 = arith.constant 0.000000e+00 : f32
      %neg3A_193 = vector.broadcast %neg3A_192 : f32 to vector<16xf32>
      %neg3A_194 = arith.subf %neg3A_193, %get3A_191 : vector<16xf32>
      %swap3A_195 = arith.index_cast %add3A_187 : i32 to index
      %swap3A_196 = arith.constant 16 : index
      %swap3A_197 = tpu.vector_load %arg9[%swap3A_195, %swap3A_196] {strides = array<i32>} : memref<160x128xf32, #tpu.memory_space<vmem>>, vector<1x16xf32>,
      %swap3A_198 = vector.shape_cast %swap3A_197 : vector<1x16xf32> to vector<16xf32>
      %swap3A_199 = vector.shape_cast %neg3A_194 : vector<16xf32> to vector<1x16xf32>
      tpu.vector_store %arg9[%swap3A_195, %swap3A_196], %swap3A_199 {strides = array<i32>} : memref<160x128xf32, #tpu.memory_space<vmem>>, vector<1x16xf32>,
      %mul3A_200 = arith.constant 2 : i32
      %mul3A_201 = arith.muli %scan3A_170, %mul3A_200 : i32
      %add3A_202 = arith.constant 0 : i32
      %add3A_203 = arith.addi %mul3A_201, %add3A_202 : i32
      %get3A_204 = arith.index_cast %add3A_203 : i32 to index
      %get3A_205 = arith.constant 32 : index
      %get3A_206 = tpu.vector_load %arg9[%get3A_204, %get3A_205] {strides = array<i32>} : memref<160x128xf32, #tpu.memory_space<vmem>>, vector<1x16xf32>,
      %get3A_207 = vector.shape_cast %get3A_206 : vector<1x16xf32> to vector<16xf32>
      %neg3A_208 = arith.constant 0.000000e+00 : f32
      %neg3A_209 = vector.broadcast %neg3A_208 : f32 to vector<16xf32>
      %neg3A_210 = arith.subf %neg3A_209, %get3A_207 : vector<16xf32>
      %swap3A_211 = arith.index_cast %add3A_203 : i32 to index
      %swap3A_212 = arith.constant 32 : index
      %swap3A_213 = tpu.vector_load %arg9[%swap3A_211, %swap3A_212] {strides = array<i32>} : memref<160x128xf32, #tpu.memory_space<vmem>>, vector<1x16xf32>,
      %swap3A_214 = vector.shape_cast %swap3A_213 : vector<1x16xf32> to vector<16xf32>
      %swap3A_215 = vector.shape_cast %neg3A_210 : vector<16xf32> to vector<1x16xf32>
      tpu.vector_store %arg9[%swap3A_211, %swap3A_212], %swap3A_215 {strides = array<i32>} : memref<160x128xf32, #tpu.memory_space<vmem>>, vector<1x16xf32>,
      %mul3A_216 = arith.constant 2 : i32
      %mul3A_217 = arith.muli %scan3A_170, %mul3A_216 : i32
      %add3A_218 = arith.constant 0 : i32
      %add3A_219 = arith.addi %mul3A_217, %add3A_218 : i32
      %get3A_220 = arith.index_cast %add3A_219 : i32 to index
      %get3A_221 = arith.constant 48 : index
      %get3A_222 = tpu.vector_load %arg9[%get3A_220, %get3A_221] {strides = array<i32>} : memref<160x128xf32, #tpu.memory_space<vmem>>, vector<1x16xf32>,
      %get3A_223 = vector.shape_cast %get3A_222 : vector<1x16xf32> to vector<16xf32>
      %neg3A_224 = arith.constant 0.000000e+00 : f32
      %neg3A_225 = vector.broadcast %neg3A_224 : f32 to vector<16xf32>
      %neg3A_226 = arith.subf %neg3A_225, %get3A_223 : vector<16xf32>
      %swap3A_227 = arith.index_cast %add3A_219 : i32 to index
      %swap3A_228 = arith.constant 48 : index
      %swap3A_229 = tpu.vector_load %arg9[%swap3A_227, %swap3A_228] {strides = array<i32>} : memref<160x128xf32, #tpu.memory_space<vmem>>, vector<1x16xf32>,
      %swap3A_230 = vector.shape_cast %swap3A_229 : vector<1x16xf32> to vector<16xf32>
      %swap3A_231 = vector.shape_cast %neg3A_226 : vector<16xf32> to vector<1x16xf32>
      tpu.vector_store %arg9[%swap3A_227, %swap3A_228], %swap3A_231 {strides = array<i32>} : memref<160x128xf32, #tpu.memory_space<vmem>>, vector<1x16xf32>,
      %mul3A_232 = arith.constant 2 : i32
      %mul3A_233 = arith.muli %scan3A_170, %mul3A_232 : i32
      %add3A_234 = arith.constant 0 : i32
      %add3A_235 = arith.addi %mul3A_233, %add3A_234 : i32
      %get3A_236 = arith.index_cast %add3A_235 : i32 to index
      %get3A_237 = arith.constant 64 : index
      %get3A_238 = tpu.vector_load %arg9[%get3A_236, %get3A_237] {strides = array<i32>} : memref<160x128xf32, #tpu.memory_space<vmem>>, vector<1x16xf32>,
      %get3A_239 = vector.shape_cast %get3A_238 : vector<1x16xf32> to vector<16xf32>
      %neg3A_240 = arith.constant 0.000000e+00 : f32
      %neg3A_241 = vector.broadcast %neg3A_240 : f32 to vector<16xf32>
      %neg3A_242 = arith.subf %neg3A_241, %get3A_239 : vector<16xf32>
      %swap3A_243 = arith.index_cast %add3A_235 : i32 to index
      %swap3A_244 = arith.constant 64 : index
      %swap3A_245 = tpu.vector_load %arg9[%swap3A_243, %swap3A_244] {strides = array<i32>} : memref<160x128xf32, #tpu.memory_space<vmem>>, vector<1x16xf32>,
      %swap3A_246 = vector.shape_cast %swap3A_245 : vector<1x16xf32> to vector<16xf32>
      %swap3A_247 = vector.shape_cast %neg3A_242 : vector<16xf32> to vector<1x16xf32>
      tpu.vector_store %arg9[%swap3A_243, %swap3A_244], %swap3A_247 {strides = array<i32>} : memref<160x128xf32, #tpu.memory_space<vmem>>, vector<1x16xf32>,
      %mul3A_248 = arith.constant 2 : i32
      %mul3A_249 = arith.muli %scan3A_170, %mul3A_248 : i32
      %add3A_250 = arith.constant 0 : i32
      %add3A_251 = arith.addi %mul3A_249, %add3A_250 : i32
      %get3A_252 = arith.index_cast %add3A_251 : i32 to index
      %get3A_253 = arith.constant 80 : index
      %get3A_254 = tpu.vector_load %arg9[%get3A_252, %get3A_253] {strides = array<i32>} : memref<160x128xf32, #tpu.memory_space<vmem>>, vector<1x16xf32>,
      %get3A_255 = vector.shape_cast %get3A_254 : vector<1x16xf32> to vector<16xf32>
      %neg3A_256 = arith.constant 0.000000e+00 : f32
      %neg3A_257 = vector.broadcast %neg3A_256 : f32 to vector<16xf32>
      %neg3A_258 = arith.subf %neg3A_257, %get3A_255 : vector<16xf32>
      %swap3A_259 = arith.index_cast %add3A_251 : i32 to index
      %swap3A_260 = arith.constant 80 : index
      %swap3A_261 = tpu.vector_load %arg9[%swap3A_259, %swap3A_260] {strides = array<i32>} : memref<160x128xf32, #tpu.memory_space<vmem>>, vector<1x16xf32>,
      %swap3A_262 = vector.shape_cast %swap3A_261 : vector<1x16xf32> to vector<16xf32>
      %swap3A_263 = vector.shape_cast %neg3A_258 : vector<16xf32> to vector<1x16xf32>
      tpu.vector_store %arg9[%swap3A_259, %swap3A_260], %swap3A_263 {strides = array<i32>} : memref<160x128xf32, #tpu.memory_space<vmem>>, vector<1x16xf32>,
      %mul3A_264 = arith.constant 2 : i32
      %mul3A_265 = arith.muli %scan3A_170, %mul3A_264 : i32
      %add3A_266 = arith.constant 0 : i32
      %add3A_267 = arith.addi %mul3A_265, %add3A_266 : i32
      %get3A_268 = arith.index_cast %add3A_267 : i32 to index
      %get3A_269 = arith.constant 96 : index
      %get3A_270 = tpu.vector_load %arg9[%get3A_268, %get3A_269] {strides = array<i32>} : memref<160x128xf32, #tpu.memory_space<vmem>>, vector<1x16xf32>,
      %get3A_271 = vector.shape_cast %get3A_270 : vector<1x16xf32> to vector<16xf32>
      %neg3A_272 = arith.constant 0.000000e+00 : f32
      %neg3A_273 = vector.broadcast %neg3A_272 : f32 to vector<16xf32>
      %neg3A_274 = arith.subf %neg3A_273, %get3A_271 : vector<16xf32>
      %swap3A_275 = arith.index_cast %add3A_267 : i32 to index
      %swap3A_276 = arith.constant 96 : index
      %swap3A_277 = tpu.vector_load %arg9[%swap3A_275, %swap3A_276] {strides = array<i32>} : memref<160x128xf32, #tpu.memory_space<vmem>>, vector<1x16xf32>,
      %swap3A_278 = vector.shape_cast %swap3A_277 : vector<1x16xf32> to vector<16xf32>
      %swap3A_279 = vector.shape_cast %neg3A_274 : vector<16xf32> to vector<1x16xf32>
      tpu.vector_store %arg9[%swap3A_275, %swap3A_276], %swap3A_279 {strides = array<i32>} : memref<160x128xf32, #tpu.memory_space<vmem>>, vector<1x16xf32>,
      %mul3A_280 = arith.constant 2 : i32
      %mul3A_281 = arith.muli %scan3A_170, %mul3A_280 : i32
      %add3A_282 = arith.constant 0 : i32
      %add3A_283 = arith.addi %mul3A_281, %add3A_282 : i32
      %get3A_284 = arith.index_cast %add3A_283 : i32 to index
      %get3A_285 = arith.constant 112 : index
      %get3A_286 = tpu.vector_load %arg9[%get3A_284, %get3A_285] {strides = array<i32>} : memref<160x128xf32, #tpu.memory_space<vmem>>, vector<1x16xf32>,
      %get3A_287 = vector.shape_cast %get3A_286 : vector<1x16xf32> to vector<16xf32>
      %neg3A_288 = arith.constant 0.000000e+00 : f32
      %neg3A_289 = vector.broadcast %neg3A_288 : f32 to vector<16xf32>
      %neg3A_290 = arith.subf %neg3A_289, %get3A_287 : vector<16xf32>
      %swap3A_291 = arith.index_cast %add3A_283 : i32 to index
      %swap3A_292 = arith.constant 112 : index
      %swap3A_293 = tpu.vector_load %arg9[%swap3A_291, %swap3A_292] {strides = array<i32>} : memref<160x128xf32, #tpu.memory_space<vmem>>, vector<1x16xf32>,
      %swap3A_294 = vector.shape_cast %swap3A_293 : vector<1x16xf32> to vector<16xf32>
      %swap3A_295 = vector.shape_cast %neg3A_290 : vector<16xf32> to vector<1x16xf32>
      tpu.vector_store %arg9[%swap3A_291, %swap3A_292], %swap3A_295 {strides = array<i32>} : memref<160x128xf32, #tpu.memory_space<vmem>>, vector<1x16xf32>,
      %mul3A_296 = arith.constant 2 : i32
      %mul3A_297 = arith.muli %scan3A_170, %mul3A_296 : i32
      %add3A_298 = arith.constant 1 : i32
      %add3A_299 = arith.addi %mul3A_297, %add3A_298 : i32
      %get3A_300 = arith.index_cast %add3A_299 : i32 to index
      %get3A_301 = arith.constant 0 : index
      %get3A_302 = tpu.vector_load %arg9[%get3A_300, %get3A_301] {strides = array<i32>} : memref<160x128xf32, #tpu.memory_space<vmem>>, vector<1x16xf32>,
      %get3A_303 = vector.shape_cast %get3A_302 : vector<1x16xf32> to vector<16xf32>
      %neg3A_304 = arith.constant 0.000000e+00 : f32
      %neg3A_305 = vector.broadcast %neg3A_304 : f32 to vector<16xf32>
      %neg3A_306 = arith.subf %neg3A_305, %get3A_303 : vector<16xf32>
      %swap3A_307 = arith.index_cast %add3A_299 : i32 to index
      %swap3A_308 = arith.constant 0 : index
      %swap3A_309 = tpu.vector_load %arg9[%swap3A_307, %swap3A_308] {strides = array<i32>} : memref<160x128xf32, #tpu.memory_space<vmem>>, vector<1x16xf32>,
      %swap3A_310 = vector.shape_cast %swap3A_309 : vector<1x16xf32> to vector<16xf32>
      %swap3A_311 = vector.shape_cast %neg3A_306 : vector<16xf32> to vector<1x16xf32>
      tpu.vector_store %arg9[%swap3A_307, %swap3A_308], %swap3A_311 {strides = array<i32>} : memref<160x128xf32, #tpu.memory_space<vmem>>, vector<1x16xf32>,
      %mul3A_312 = arith.constant 2 : i32
      %mul3A_313 = arith.muli %scan3A_170, %mul3A_312 : i32
      %add3A_314 = arith.constant 1 : i32
      %add3A_315 = arith.addi %mul3A_313, %add3A_314 : i32
      %get3A_316 = arith.index_cast %add3A_315 : i32 to index
      %get3A_317 = arith.constant 16 : index
      %get3A_318 = tpu.vector_load %arg9[%get3A_316, %get3A_317] {strides = array<i32>} : memref<160x128xf32, #tpu.memory_space<vmem>>, vector<1x16xf32>,
      %get3A_319 = vector.shape_cast %get3A_318 : vector<1x16xf32> to vector<16xf32>
      %neg3A_320 = arith.constant 0.000000e+00 : f32
      %neg3A_321 = vector.broadcast %neg3A_320 : f32 to vector<16xf32>
      %neg3A_322 = arith.subf %neg3A_321, %get3A_319 : vector<16xf32>
      %swap3A_323 = arith.index_cast %add3A_315 : i32 to index
      %swap3A_324 = arith.constant 16 : index
      %swap3A_325 = tpu.vector_load %arg9[%swap3A_323, %swap3A_324] {strides = array<i32>} : memref<160x128xf32, #tpu.memory_space<vmem>>, vector<1x16xf32>,
      %swap3A_326 = vector.shape_cast %swap3A_325 : vector<1x16xf32> to vector<16xf32>
      %swap3A_327 = vector.shape_cast %neg3A_322 : vector<16xf32> to vector<1x16xf32>
      tpu.vector_store %arg9[%swap3A_323, %swap3A_324], %swap3A_327 {strides = array<i32>} : memref<160x128xf32, #tpu.memory_space<vmem>>, vector<1x16xf32>,
      %mul3A_328 = arith.constant 2 : i32
      %mul3A_329 = arith.muli %scan3A_170, %mul3A_328 : i32
      %add3A_330 = arith.constant 1 : i32
      %add3A_331 = arith.addi %mul3A_329, %add3A_330 : i32
      %get3A_332 = arith.index_cast %add3A_331 : i32 to index
      %get3A_333 = arith.constant 32 : index
      %get3A_334 = tpu.vector_load %arg9[%get3A_332, %get3A_333] {strides = array<i32>} : memref<160x128xf32, #tpu.memory_space<vmem>>, vector<1x16xf32>,
      %get3A_335 = vector.shape_cast %get3A_334 : vector<1x16xf32> to vector<16xf32>
      %neg3A_336 = arith.constant 0.000000e+00 : f32
      %neg3A_337 = vector.broadcast %neg3A_336 : f32 to vector<16xf32>
      %neg3A_338 = arith.subf %neg3A_337, %get3A_335 : vector<16xf32>
      %swap3A_339 = arith.index_cast %add3A_331 : i32 to index
      %swap3A_340 = arith.constant 32 : index
      %swap3A_341 = tpu.vector_load %arg9[%swap3A_339, %swap3A_340] {strides = array<i32>} : memref<160x128xf32, #tpu.memory_space<vmem>>, vector<1x16xf32>,
      %swap3A_342 = vector.shape_cast %swap3A_341 : vector<1x16xf32> to vector<16xf32>
      %swap3A_343 = vector.shape_cast %neg3A_338 : vector<16xf32> to vector<1x16xf32>
      tpu.vector_store %arg9[%swap3A_339, %swap3A_340], %swap3A_343 {strides = array<i32>} : memref<160x128xf32, #tpu.memory_space<vmem>>, vector<1x16xf32>,
      %mul3A_344 = arith.constant 2 : i32
      %mul3A_345 = arith.muli %scan3A_170, %mul3A_344 : i32
      %add3A_346 = arith.constant 1 : i32
      %add3A_347 = arith.addi %mul3A_345, %add3A_346 : i32
      %get3A_348 = arith.index_cast %add3A_347 : i32 to index
      %get3A_349 = arith.constant 48 : index
      %get3A_350 = tpu.vector_load %arg9[%get3A_348, %get3A_349] {strides = array<i32>} : memref<160x128xf32, #tpu.memory_space<vmem>>, vector<1x16xf32>,
      %get3A_351 = vector.shape_cast %get3A_350 : vector<1x16xf32> to vector<16xf32>
      %neg3A_352 = arith.constant 0.000000e+00 : f32
      %neg3A_353 = vector.broadcast %neg3A_352 : f32 to vector<16xf32>
      %neg3A_354 = arith.subf %neg3A_353, %get3A_351 : vector<16xf32>
      %swap3A_355 = arith.index_cast %add3A_347 : i32 to index
      %swap3A_356 = arith.constant 48 : index
      %swap3A_357 = tpu.vector_load %arg9[%swap3A_355, %swap3A_356] {strides = array<i32>} : memref<160x128xf32, #tpu.memory_space<vmem>>, vector<1x16xf32>,
      %swap3A_358 = vector.shape_cast %swap3A_357 : vector<1x16xf32> to vector<16xf32>
      %swap3A_359 = vector.shape_cast %neg3A_354 : vector<16xf32> to vector<1x16xf32>
      tpu.vector_store %arg9[%swap3A_355, %swap3A_356], %swap3A_359 {strides = array<i32>} : memref<160x128xf32, #tpu.memory_space<vmem>>, vector<1x16xf32>,
      %mul3A_360 = arith.constant 2 : i32
      %mul3A_361 = arith.muli %scan3A_170, %mul3A_360 : i32
      %add3A_362 = arith.constant 1 : i32
      %add3A_363 = arith.addi %mul3A_361, %add3A_362 : i32
      %get3A_364 = arith.index_cast %add3A_363 : i32 to index
      %get3A_365 = arith.constant 64 : index
      %get3A_366 = tpu.vector_load %arg9[%get3A_364, %get3A_365] {strides = array<i32>} : memref<160x128xf32, #tpu.memory_space<vmem>>, vector<1x16xf32>,
      %get3A_367 = vector.shape_cast %get3A_366 : vector<1x16xf32> to vector<16xf32>
      %neg3A_368 = arith.constant 0.000000e+00 : f32
      %neg3A_369 = vector.broadcast %neg3A_368 : f32 to vector<16xf32>
      %neg3A_370 = arith.subf %neg3A_369, %get3A_367 : vector<16xf32>
      %swap3A_371 = arith.index_cast %add3A_363 : i32 to index
      %swap3A_372 = arith.constant 64 : index
      %swap3A_373 = tpu.vector_load %arg9[%swap3A_371, %swap3A_372] {strides = array<i32>} : memref<160x128xf32, #tpu.memory_space<vmem>>, vector<1x16xf32>,
      %swap3A_374 = vector.shape_cast %swap3A_373 : vector<1x16xf32> to vector<16xf32>
      %swap3A_375 = vector.shape_cast %neg3A_370 : vector<16xf32> to vector<1x16xf32>
      tpu.vector_store %arg9[%swap3A_371, %swap3A_372], %swap3A_375 {strides = array<i32>} : memref<160x128xf32, #tpu.memory_space<vmem>>, vector<1x16xf32>,
      %mul3A_376 = arith.constant 2 : i32
      %mul3A_377 = arith.muli %scan3A_170, %mul3A_376 : i32
      %add3A_378 = arith.constant 1 : i32
      %add3A_379 = arith.addi %mul3A_377, %add3A_378 : i32
      %get3A_380 = arith.index_cast %add3A_379 : i32 to index
      %get3A_381 = arith.constant 80 : index
      %get3A_382 = tpu.vector_load %arg9[%get3A_380, %get3A_381] {strides = array<i32>} : memref<160x128xf32, #tpu.memory_space<vmem>>, vector<1x16xf32>,
      %get3A_383 = vector.shape_cast %get3A_382 : vector<1x16xf32> to vector<16xf32>
      %neg3A_384 = arith.constant 0.000000e+00 : f32
      %neg3A_385 = vector.broadcast %neg3A_384 : f32 to vector<16xf32>
      %neg3A_386 = arith.subf %neg3A_385, %get3A_383 : vector<16xf32>
      %swap3A_387 = arith.index_cast %add3A_379 : i32 to index
      %swap3A_388 = arith.constant 80 : index
      %swap3A_389 = tpu.vector_load %arg9[%swap3A_387, %swap3A_388] {strides = array<i32>} : memref<160x128xf32, #tpu.memory_space<vmem>>, vector<1x16xf32>,
      %swap3A_390 = vector.shape_cast %swap3A_389 : vector<1x16xf32> to vector<16xf32>
      %swap3A_391 = vector.shape_cast %neg3A_386 : vector<16xf32> to vector<1x16xf32>
      tpu.vector_store %arg9[%swap3A_387, %swap3A_388], %swap3A_391 {strides = array<i32>} : memref<160x128xf32, #tpu.memory_space<vmem>>, vector<1x16xf32>,
      %mul3A_392 = arith.constant 2 : i32
      %mul3A_393 = arith.muli %scan3A_170, %mul3A_392 : i32
      %add3A_394 = arith.constant 1 : i32
      %add3A_395 = arith.addi %mul3A_393, %add3A_394 : i32
      %get3A_396 = arith.index_cast %add3A_395 : i32 to index
      %get3A_397 = arith.constant 96 : index
      %get3A_398 = tpu.vector_load %arg9[%get3A_396, %get3A_397] {strides = array<i32>} : memref<160x128xf32, #tpu.memory_space<vmem>>, vector<1x16xf32>,
      %get3A_399 = vector.shape_cast %get3A_398 : vector<1x16xf32> to vector<16xf32>
      %neg3A_400 = arith.constant 0.000000e+00 : f32
      %neg3A_401 = vector.broadcast %neg3A_400 : f32 to vector<16xf32>
      %neg3A_402 = arith.subf %neg3A_401, %get3A_399 : vector<16xf32>
      %swap3A_403 = arith.index_cast %add3A_395 : i32 to index
      %swap3A_404 = arith.constant 96 : index
      %swap3A_405 = tpu.vector_load %arg9[%swap3A_403, %swap3A_404] {strides = array<i32>} : memref<160x128xf32, #tpu.memory_space<vmem>>, vector<1x16xf32>,
      %swap3A_406 = vector.shape_cast %swap3A_405 : vector<1x16xf32> to vector<16xf32>
      %swap3A_407 = vector.shape_cast %neg3A_402 : vector<16xf32> to vector<1x16xf32>
      tpu.vector_store %arg9[%swap3A_403, %swap3A_404], %swap3A_407 {strides = array<i32>} : memref<160x128xf32, #tpu.memory_space<vmem>>, vector<1x16xf32>,
      %mul3A_408 = arith.constant 2 : i32
      %mul3A_409 = arith.muli %scan3A_170, %mul3A_408 : i32
      %add3A_410 = arith.constant 1 : i32
      %add3A_411 = arith.addi %mul3A_409, %add3A_410 : i32
      %get3A_412 = arith.index_cast %add3A_411 : i32 to index
      %get3A_413 = arith.constant 112 : index
      %get3A_414 = tpu.vector_load %arg9[%get3A_412, %get3A_413] {strides = array<i32>} : memref<160x128xf32, #tpu.memory_space<vmem>>, vector<1x16xf32>,
      %get3A_415 = vector.shape_cast %get3A_414 : vector<1x16xf32> to vector<16xf32>
      %neg3A_416 = arith.constant 0.000000e+00 : f32
      %neg3A_417 = vector.broadcast %neg3A_416 : f32 to vector<16xf32>
      %neg3A_418 = arith.subf %neg3A_417, %get3A_415 : vector<16xf32>
      %swap3A_419 = arith.index_cast %add3A_411 : i32 to index
      %swap3A_420 = arith.constant 112 : index
      %swap3A_421 = tpu.vector_load %arg9[%swap3A_419, %swap3A_420] {strides = array<i32>} : memref<160x128xf32, #tpu.memory_space<vmem>>, vector<1x16xf32>,
      %swap3A_422 = vector.shape_cast %swap3A_421 : vector<1x16xf32> to vector<16xf32>
      %swap3A_423 = vector.shape_cast %neg3A_418 : vector<16xf32> to vector<1x16xf32>
      tpu.vector_store %arg9[%swap3A_419, %swap3A_420], %swap3A_423 {strides = array<i32>} : memref<160x128xf32, #tpu.memory_space<vmem>>, vector<1x16xf32>,
    }
    %scan3A_67 = arith.constant 80 : i32
    %dma_start3A_68 = arith.constant 1 : i32
    %dma_start3A_69 = arith.constant 96 : i32
    %dma_start3A_70 = tpu.memref_slice %arg7[%dma_start3A_69] : memref<512xi32, #tpu.memory_space<vmem>> -> memref<160xi32, #tpu.memory_space<vmem>>
    %dma_start3A_71 = arith.constant 0 : i32
    %dma_start3A_72 = arith.constant 0 : i32
    %dma_start3A_73 = tpu.memref_slice %arg2[%dma_start3A_71, %dma_start3A_72] : memref<100000x128xf32, #tpu.memory_space<hbm>> -> memref<100000x128xf32, #tpu.memory_space<hbm>>
    %dma_start3A_74 = tpu.memref_slice %arg12[%dma_start3A_68] : memref<3x!tpu.dma_semaphore, #tpu.memory_space<semaphore_mem>> -> memref<1x!tpu.dma_semaphore, #tpu.memory_space<semaphore_mem>>
    %dma_start3A_75 = tpu.memref_squeeze %dma_start3A_74 : memref<1x!tpu.dma_semaphore, #tpu.memory_space<semaphore_mem>> -> memref<!tpu.dma_semaphore, #tpu.memory_space<semaphore_mem>>
    tpu.enqueue_indirect_dma source(%dma_start3A_73 : memref<100000x128xf32, #tpu.memory_space<hbm>>) target(%arg9 : memref<160x128xf32, #tpu.memory_space<vmem>>) offsets(%dma_start3A_70 : memref<160xi32, #tpu.memory_space<vmem>>) semaphore(%dma_start3A_75 : memref<!tpu.dma_semaphore, #tpu.memory_space<semaphore_mem>>) {add = true}
    %dma_wait3A_76 = arith.constant 0 : i32
    %dma_wait3A_77 = arith.constant 0 : i32
    %dma_wait3A_78 = tpu.memref_slice %arg7[%dma_wait3A_77] : memref<512xi32, #tpu.memory_space<vmem>> -> memref<96xi32, #tpu.memory_space<vmem>>
    %dma_wait3A_79 = arith.constant 0 : i32
    %dma_wait3A_80 = arith.constant 0 : i32
    %dma_wait3A_81 = tpu.memref_slice %arg2[%dma_wait3A_79, %dma_wait3A_80] : memref<100000x128xf32, #tpu.memory_space<hbm>> -> memref<100000x128xf32, #tpu.memory_space<hbm>>
    %dma_wait3A_82 = tpu.memref_slice %arg12[%dma_wait3A_76] : memref<3x!tpu.dma_semaphore, #tpu.memory_space<semaphore_mem>> -> memref<1x!tpu.dma_semaphore, #tpu.memory_space<semaphore_mem>>
    %dma_wait3A_83 = tpu.memref_squeeze %dma_wait3A_82 : memref<1x!tpu.dma_semaphore, #tpu.memory_space<semaphore_mem>> -> memref<!tpu.dma_semaphore, #tpu.memory_space<semaphore_mem>>
    tpu.wait_indirect_dma semaphore(%dma_wait3A_83 : memref<!tpu.dma_semaphore, #tpu.memory_space<semaphore_mem>>) src(%dma_wait3A_81 : memref<100000x128xf32, #tpu.memory_space<hbm>>) dst(%arg8 : memref<96x128xf32, #tpu.memory_space<vmem>>)
    %add3A_84 = arith.constant 0 : i32
    %add3A_85 = arith.addi %mul3A_2, %add3A_84 : i32
    %dma_start3A_86 = arith.constant 0 : i32
    %dma_start3A_87 = arith.constant 0 : i32
    %dma_start3A_88 = tpu.memref_slice %arg5[%add3A_85, %dma_start3A_87] : memref<16384x128xf32, #tpu.memory_space<hbm>> -> memref<96x128xf32, #tpu.memory_space<hbm>>
    %dma_start3A_89 = tpu.memref_slice %arg13[%dma_start3A_86] : memref<3x!tpu.dma_semaphore, #tpu.memory_space<semaphore_mem>> -> memref<1x!tpu.dma_semaphore, #tpu.memory_space<semaphore_mem>>
    %dma_start3A_90 = tpu.memref_squeeze %dma_start3A_89 : memref<1x!tpu.dma_semaphore, #tpu.memory_space<semaphore_mem>> -> memref<!tpu.dma_semaphore, #tpu.memory_space<semaphore_mem>>
    %dma_start3A_91 = arith.constant 0 : i32
    %dma_start3A_92 = tpu.memref_slice %arg5[%add3A_85, %dma_start3A_91] : memref<16384x128xf32, #tpu.memory_space<hbm>> -> memref<96x128xf32, #tpu.memory_space<hbm>>
    tpu.enqueue_dma source(%arg8 : memref<96x128xf32, #tpu.memory_space<vmem>>) target(%dma_start3A_92 : memref<96x128xf32, #tpu.memory_space<hbm>>) target_semaphore(%dma_start3A_90 : memref<!tpu.dma_semaphore, #tpu.memory_space<semaphore_mem>>)
    %dma_wait3A_93 = arith.constant 2 : i32
    %dma_wait3A_94 = arith.constant 256 : i32
    %dma_wait3A_95 = tpu.memref_slice %arg6[%dma_wait3A_94] : memref<512xi32, #tpu.memory_space<vmem>> -> memref<256xi32, #tpu.memory_space<vmem>>
    %dma_wait3A_96 = arith.constant 0 : i32
    %dma_wait3A_97 = arith.constant 0 : i32
    %dma_wait3A_98 = tpu.memref_slice %arg2[%dma_wait3A_96, %dma_wait3A_97] : memref<100000x128xf32, #tpu.memory_space<hbm>> -> memref<100000x128xf32, #tpu.memory_space<hbm>>
    %dma_wait3A_99 = tpu.memref_slice %arg12[%dma_wait3A_93] : memref<3x!tpu.dma_semaphore, #tpu.memory_space<semaphore_mem>> -> memref<1x!tpu.dma_semaphore, #tpu.memory_space<semaphore_mem>>
    %dma_wait3A_100 = tpu.memref_squeeze %dma_wait3A_99 : memref<1x!tpu.dma_semaphore, #tpu.memory_space<semaphore_mem>> -> memref<!tpu.dma_semaphore, #tpu.memory_space<semaphore_mem>>
    tpu.wait_indirect_dma semaphore(%dma_wait3A_100 : memref<!tpu.dma_semaphore, #tpu.memory_space<semaphore_mem>>) src(%dma_wait3A_98 : memref<100000x128xf32, #tpu.memory_space<hbm>>) dst(%arg10 : memref<256x128xf32, #tpu.memory_space<vmem>>)
    %scan3A_101 = arith.constant 0 : i32
    %scan3A_102 = arith.constant 0 : i32
    %scan3A_103 = arith.constant 128 : i32
    %scan3A_104 = arith.addi %scan3A_102, %scan3A_103 : i32
    %scan3A_105 = arith.constant 1 : i32
    scf.for %scan3A_170 = %scan3A_102 to %scan3A_104 step %scan3A_105  : i32 {
      %mul3A_171 = arith.constant 2 : i32
      %mul3A_172 = arith.muli %scan3A_170, %mul3A_171 : i32
      %add3A_173 = arith.constant 0 : i32
      %add3A_174 = arith.addi %mul3A_172, %add3A_173 : i32
      %get3A = arith.index_cast %add3A_174 : i32 to index
      %get3A_175 = arith.constant 0 : index
      %get3A_176 = tpu.vector_load %arg10[%get3A, %get3A_175] {strides = array<i32>} : memref<256x128xf32, #tpu.memory_space<vmem>>, vector<1x16xf32>,
      %get3A_177 = vector.shape_cast %get3A_176 : vector<1x16xf32> to vector<16xf32>
      %neg3A = arith.constant 0.000000e+00 : f32
      %neg3A_178 = vector.broadcast %neg3A : f32 to vector<16xf32>
      %neg3A_179 = arith.subf %neg3A_178, %get3A_177 : vector<16xf32>
      %swap3A = arith.index_cast %add3A_174 : i32 to index
      %swap3A_180 = arith.constant 0 : index
      %swap3A_181 = tpu.vector_load %arg10[%swap3A, %swap3A_180] {strides = array<i32>} : memref<256x128xf32, #tpu.memory_space<vmem>>, vector<1x16xf32>,
      %swap3A_182 = vector.shape_cast %swap3A_181 : vector<1x16xf32> to vector<16xf32>
      %swap3A_183 = vector.shape_cast %neg3A_179 : vector<16xf32> to vector<1x16xf32>
      tpu.vector_store %arg10[%swap3A, %swap3A_180], %swap3A_183 {strides = array<i32>} : memref<256x128xf32, #tpu.memory_space<vmem>>, vector<1x16xf32>,
      %mul3A_184 = arith.constant 2 : i32
      %mul3A_185 = arith.muli %scan3A_170, %mul3A_184 : i32
      %add3A_186 = arith.constant 0 : i32
      %add3A_187 = arith.addi %mul3A_185, %add3A_186 : i32
      %get3A_188 = arith.index_cast %add3A_187 : i32 to index
      %get3A_189 = arith.constant 16 : index
      %get3A_190 = tpu.vector_load %arg10[%get3A_188, %get3A_189] {strides = array<i32>} : memref<256x128xf32, #tpu.memory_space<vmem>>, vector<1x16xf32>,
      %get3A_191 = vector.shape_cast %get3A_190 : vector<1x16xf32> to vector<16xf32>
      %neg3A_192 = arith.constant 0.000000e+00 : f32
      %neg3A_193 = vector.broadcast %neg3A_192 : f32 to vector<16xf32>
      %neg3A_194 = arith.subf %neg3A_193, %get3A_191 : vector<16xf32>
      %swap3A_195 = arith.index_cast %add3A_187 : i32 to index
      %swap3A_196 = arith.constant 16 : index
      %swap3A_197 = tpu.vector_load %arg10[%swap3A_195, %swap3A_196] {strides = array<i32>} : memref<256x128xf32, #tpu.memory_space<vmem>>, vector<1x16xf32>,
      %swap3A_198 = vector.shape_cast %swap3A_197 : vector<1x16xf32> to vector<16xf32>
      %swap3A_199 = vector.shape_cast %neg3A_194 : vector<16xf32> to vector<1x16xf32>
      tpu.vector_store %arg10[%swap3A_195, %swap3A_196], %swap3A_199 {strides = array<i32>} : memref<256x128xf32, #tpu.memory_space<vmem>>, vector<1x16xf32>,
      %mul3A_200 = arith.constant 2 : i32
      %mul3A_201 = arith.muli %scan3A_170, %mul3A_200 : i32
      %add3A_202 = arith.constant 0 : i32
      %add3A_203 = arith.addi %mul3A_201, %add3A_202 : i32
      %get3A_204 = arith.index_cast %add3A_203 : i32 to index
      %get3A_205 = arith.constant 32 : index
      %get3A_206 = tpu.vector_load %arg10[%get3A_204, %get3A_205] {strides = array<i32>} : memref<256x128xf32, #tpu.memory_space<vmem>>, vector<1x16xf32>,
      %get3A_207 = vector.shape_cast %get3A_206 : vector<1x16xf32> to vector<16xf32>
      %neg3A_208 = arith.constant 0.000000e+00 : f32
      %neg3A_209 = vector.broadcast %neg3A_208 : f32 to vector<16xf32>
      %neg3A_210 = arith.subf %neg3A_209, %get3A_207 : vector<16xf32>
      %swap3A_211 = arith.index_cast %add3A_203 : i32 to index
      %swap3A_212 = arith.constant 32 : index
      %swap3A_213 = tpu.vector_load %arg10[%swap3A_211, %swap3A_212] {strides = array<i32>} : memref<256x128xf32, #tpu.memory_space<vmem>>, vector<1x16xf32>,
      %swap3A_214 = vector.shape_cast %swap3A_213 : vector<1x16xf32> to vector<16xf32>
      %swap3A_215 = vector.shape_cast %neg3A_210 : vector<16xf32> to vector<1x16xf32>
      tpu.vector_store %arg10[%swap3A_211, %swap3A_212], %swap3A_215 {strides = array<i32>} : memref<256x128xf32, #tpu.memory_space<vmem>>, vector<1x16xf32>,
      %mul3A_216 = arith.constant 2 : i32
      %mul3A_217 = arith.muli %scan3A_170, %mul3A_216 : i32
      %add3A_218 = arith.constant 0 : i32
      %add3A_219 = arith.addi %mul3A_217, %add3A_218 : i32
      %get3A_220 = arith.index_cast %add3A_219 : i32 to index
      %get3A_221 = arith.constant 48 : index
      %get3A_222 = tpu.vector_load %arg10[%get3A_220, %get3A_221] {strides = array<i32>} : memref<256x128xf32, #tpu.memory_space<vmem>>, vector<1x16xf32>,
      %get3A_223 = vector.shape_cast %get3A_222 : vector<1x16xf32> to vector<16xf32>
      %neg3A_224 = arith.constant 0.000000e+00 : f32
      %neg3A_225 = vector.broadcast %neg3A_224 : f32 to vector<16xf32>
      %neg3A_226 = arith.subf %neg3A_225, %get3A_223 : vector<16xf32>
      %swap3A_227 = arith.index_cast %add3A_219 : i32 to index
      %swap3A_228 = arith.constant 48 : index
      %swap3A_229 = tpu.vector_load %arg10[%swap3A_227, %swap3A_228] {strides = array<i32>} : memref<256x128xf32, #tpu.memory_space<vmem>>, vector<1x16xf32>,
      %swap3A_230 = vector.shape_cast %swap3A_229 : vector<1x16xf32> to vector<16xf32>
      %swap3A_231 = vector.shape_cast %neg3A_226 : vector<16xf32> to vector<1x16xf32>
      tpu.vector_store %arg10[%swap3A_227, %swap3A_228], %swap3A_231 {strides = array<i32>} : memref<256x128xf32, #tpu.memory_space<vmem>>, vector<1x16xf32>,
      %mul3A_232 = arith.constant 2 : i32
      %mul3A_233 = arith.muli %scan3A_170, %mul3A_232 : i32
      %add3A_234 = arith.constant 0 : i32
      %add3A_235 = arith.addi %mul3A_233, %add3A_234 : i32
      %get3A_236 = arith.index_cast %add3A_235 : i32 to index
      %get3A_237 = arith.constant 64 : index
      %get3A_238 = tpu.vector_load %arg10[%get3A_236, %get3A_237] {strides = array<i32>} : memref<256x128xf32, #tpu.memory_space<vmem>>, vector<1x16xf32>,
      %get3A_239 = vector.shape_cast %get3A_238 : vector<1x16xf32> to vector<16xf32>
      %neg3A_240 = arith.constant 0.000000e+00 : f32
      %neg3A_241 = vector.broadcast %neg3A_240 : f32 to vector<16xf32>
      %neg3A_242 = arith.subf %neg3A_241, %get3A_239 : vector<16xf32>
      %swap3A_243 = arith.index_cast %add3A_235 : i32 to index
      %swap3A_244 = arith.constant 64 : index
      %swap3A_245 = tpu.vector_load %arg10[%swap3A_243, %swap3A_244] {strides = array<i32>} : memref<256x128xf32, #tpu.memory_space<vmem>>, vector<1x16xf32>,
      %swap3A_246 = vector.shape_cast %swap3A_245 : vector<1x16xf32> to vector<16xf32>
      %swap3A_247 = vector.shape_cast %neg3A_242 : vector<16xf32> to vector<1x16xf32>
      tpu.vector_store %arg10[%swap3A_243, %swap3A_244], %swap3A_247 {strides = array<i32>} : memref<256x128xf32, #tpu.memory_space<vmem>>, vector<1x16xf32>,
      %mul3A_248 = arith.constant 2 : i32
      %mul3A_249 = arith.muli %scan3A_170, %mul3A_248 : i32
      %add3A_250 = arith.constant 0 : i32
      %add3A_251 = arith.addi %mul3A_249, %add3A_250 : i32
      %get3A_252 = arith.index_cast %add3A_251 : i32 to index
      %get3A_253 = arith.constant 80 : index
      %get3A_254 = tpu.vector_load %arg10[%get3A_252, %get3A_253] {strides = array<i32>} : memref<256x128xf32, #tpu.memory_space<vmem>>, vector<1x16xf32>,
      %get3A_255 = vector.shape_cast %get3A_254 : vector<1x16xf32> to vector<16xf32>
      %neg3A_256 = arith.constant 0.000000e+00 : f32
      %neg3A_257 = vector.broadcast %neg3A_256 : f32 to vector<16xf32>
      %neg3A_258 = arith.subf %neg3A_257, %get3A_255 : vector<16xf32>
      %swap3A_259 = arith.index_cast %add3A_251 : i32 to index
      %swap3A_260 = arith.constant 80 : index
      %swap3A_261 = tpu.vector_load %arg10[%swap3A_259, %swap3A_260] {strides = array<i32>} : memref<256x128xf32, #tpu.memory_space<vmem>>, vector<1x16xf32>,
      %swap3A_262 = vector.shape_cast %swap3A_261 : vector<1x16xf32> to vector<16xf32>
      %swap3A_263 = vector.shape_cast %neg3A_258 : vector<16xf32> to vector<1x16xf32>
      tpu.vector_store %arg10[%swap3A_259, %swap3A_260], %swap3A_263 {strides = array<i32>} : memref<256x128xf32, #tpu.memory_space<vmem>>, vector<1x16xf32>,
      %mul3A_264 = arith.constant 2 : i32
      %mul3A_265 = arith.muli %scan3A_170, %mul3A_264 : i32
      %add3A_266 = arith.constant 0 : i32
      %add3A_267 = arith.addi %mul3A_265, %add3A_266 : i32
      %get3A_268 = arith.index_cast %add3A_267 : i32 to index
      %get3A_269 = arith.constant 96 : index
      %get3A_270 = tpu.vector_load %arg10[%get3A_268, %get3A_269] {strides = array<i32>} : memref<256x128xf32, #tpu.memory_space<vmem>>, vector<1x16xf32>,
      %get3A_271 = vector.shape_cast %get3A_270 : vector<1x16xf32> to vector<16xf32>
      %neg3A_272 = arith.constant 0.000000e+00 : f32
      %neg3A_273 = vector.broadcast %neg3A_272 : f32 to vector<16xf32>
      %neg3A_274 = arith.subf %neg3A_273, %get3A_271 : vector<16xf32>
      %swap3A_275 = arith.index_cast %add3A_267 : i32 to index
      %swap3A_276 = arith.constant 96 : index
      %swap3A_277 = tpu.vector_load %arg10[%swap3A_275, %swap3A_276] {strides = array<i32>} : memref<256x128xf32, #tpu.memory_space<vmem>>, vector<1x16xf32>,
      %swap3A_278 = vector.shape_cast %swap3A_277 : vector<1x16xf32> to vector<16xf32>
      %swap3A_279 = vector.shape_cast %neg3A_274 : vector<16xf32> to vector<1x16xf32>
      tpu.vector_store %arg10[%swap3A_275, %swap3A_276], %swap3A_279 {strides = array<i32>} : memref<256x128xf32, #tpu.memory_space<vmem>>, vector<1x16xf32>,
      %mul3A_280 = arith.constant 2 : i32
      %mul3A_281 = arith.muli %scan3A_170, %mul3A_280 : i32
      %add3A_282 = arith.constant 0 : i32
      %add3A_283 = arith.addi %mul3A_281, %add3A_282 : i32
      %get3A_284 = arith.index_cast %add3A_283 : i32 to index
      %get3A_285 = arith.constant 112 : index
      %get3A_286 = tpu.vector_load %arg10[%get3A_284, %get3A_285] {strides = array<i32>} : memref<256x128xf32, #tpu.memory_space<vmem>>, vector<1x16xf32>,
      %get3A_287 = vector.shape_cast %get3A_286 : vector<1x16xf32> to vector<16xf32>
      %neg3A_288 = arith.constant 0.000000e+00 : f32
      %neg3A_289 = vector.broadcast %neg3A_288 : f32 to vector<16xf32>
      %neg3A_290 = arith.subf %neg3A_289, %get3A_287 : vector<16xf32>
      %swap3A_291 = arith.index_cast %add3A_283 : i32 to index
      %swap3A_292 = arith.constant 112 : index
      %swap3A_293 = tpu.vector_load %arg10[%swap3A_291, %swap3A_292] {strides = array<i32>} : memref<256x128xf32, #tpu.memory_space<vmem>>, vector<1x16xf32>,
      %swap3A_294 = vector.shape_cast %swap3A_293 : vector<1x16xf32> to vector<16xf32>
      %swap3A_295 = vector.shape_cast %neg3A_290 : vector<16xf32> to vector<1x16xf32>
      tpu.vector_store %arg10[%swap3A_291, %swap3A_292], %swap3A_295 {strides = array<i32>} : memref<256x128xf32, #tpu.memory_space<vmem>>, vector<1x16xf32>,
      %mul3A_296 = arith.constant 2 : i32
      %mul3A_297 = arith.muli %scan3A_170, %mul3A_296 : i32
      %add3A_298 = arith.constant 1 : i32
      %add3A_299 = arith.addi %mul3A_297, %add3A_298 : i32
      %get3A_300 = arith.index_cast %add3A_299 : i32 to index
      %get3A_301 = arith.constant 0 : index
      %get3A_302 = tpu.vector_load %arg10[%get3A_300, %get3A_301] {strides = array<i32>} : memref<256x128xf32, #tpu.memory_space<vmem>>, vector<1x16xf32>,
      %get3A_303 = vector.shape_cast %get3A_302 : vector<1x16xf32> to vector<16xf32>
      %neg3A_304 = arith.constant 0.000000e+00 : f32
      %neg3A_305 = vector.broadcast %neg3A_304 : f32 to vector<16xf32>
      %neg3A_306 = arith.subf %neg3A_305, %get3A_303 : vector<16xf32>
      %swap3A_307 = arith.index_cast %add3A_299 : i32 to index
      %swap3A_308 = arith.constant 0 : index
      %swap3A_309 = tpu.vector_load %arg10[%swap3A_307, %swap3A_308] {strides = array<i32>} : memref<256x128xf32, #tpu.memory_space<vmem>>, vector<1x16xf32>,
      %swap3A_310 = vector.shape_cast %swap3A_309 : vector<1x16xf32> to vector<16xf32>
      %swap3A_311 = vector.shape_cast %neg3A_306 : vector<16xf32> to vector<1x16xf32>
      tpu.vector_store %arg10[%swap3A_307, %swap3A_308], %swap3A_311 {strides = array<i32>} : memref<256x128xf32, #tpu.memory_space<vmem>>, vector<1x16xf32>,
      %mul3A_312 = arith.constant 2 : i32
      %mul3A_313 = arith.muli %scan3A_170, %mul3A_312 : i32
      %add3A_314 = arith.constant 1 : i32
      %add3A_315 = arith.addi %mul3A_313, %add3A_314 : i32
      %get3A_316 = arith.index_cast %add3A_315 : i32 to index
      %get3A_317 = arith.constant 16 : index
      %get3A_318 = tpu.vector_load %arg10[%get3A_316, %get3A_317] {strides = array<i32>} : memref<256x128xf32, #tpu.memory_space<vmem>>, vector<1x16xf32>,
      %get3A_319 = vector.shape_cast %get3A_318 : vector<1x16xf32> to vector<16xf32>
      %neg3A_320 = arith.constant 0.000000e+00 : f32
      %neg3A_321 = vector.broadcast %neg3A_320 : f32 to vector<16xf32>
      %neg3A_322 = arith.subf %neg3A_321, %get3A_319 : vector<16xf32>
      %swap3A_323 = arith.index_cast %add3A_315 : i32 to index
      %swap3A_324 = arith.constant 16 : index
      %swap3A_325 = tpu.vector_load %arg10[%swap3A_323, %swap3A_324] {strides = array<i32>} : memref<256x128xf32, #tpu.memory_space<vmem>>, vector<1x16xf32>,
      %swap3A_326 = vector.shape_cast %swap3A_325 : vector<1x16xf32> to vector<16xf32>
      %swap3A_327 = vector.shape_cast %neg3A_322 : vector<16xf32> to vector<1x16xf32>
      tpu.vector_store %arg10[%swap3A_323, %swap3A_324], %swap3A_327 {strides = array<i32>} : memref<256x128xf32, #tpu.memory_space<vmem>>, vector<1x16xf32>,
      %mul3A_328 = arith.constant 2 : i32
      %mul3A_329 = arith.muli %scan3A_170, %mul3A_328 : i32
      %add3A_330 = arith.constant 1 : i32
      %add3A_331 = arith.addi %mul3A_329, %add3A_330 : i32
      %get3A_332 = arith.index_cast %add3A_331 : i32 to index
      %get3A_333 = arith.constant 32 : index
      %get3A_334 = tpu.vector_load %arg10[%get3A_332, %get3A_333] {strides = array<i32>} : memref<256x128xf32, #tpu.memory_space<vmem>>, vector<1x16xf32>,
      %get3A_335 = vector.shape_cast %get3A_334 : vector<1x16xf32> to vector<16xf32>
      %neg3A_336 = arith.constant 0.000000e+00 : f32
      %neg3A_337 = vector.broadcast %neg3A_336 : f32 to vector<16xf32>
      %neg3A_338 = arith.subf %neg3A_337, %get3A_335 : vector<16xf32>
      %swap3A_339 = arith.index_cast %add3A_331 : i32 to index
      %swap3A_340 = arith.constant 32 : index
      %swap3A_341 = tpu.vector_load %arg10[%swap3A_339, %swap3A_340] {strides = array<i32>} : memref<256x128xf32, #tpu.memory_space<vmem>>, vector<1x16xf32>,
      %swap3A_342 = vector.shape_cast %swap3A_341 : vector<1x16xf32> to vector<16xf32>
      %swap3A_343 = vector.shape_cast %neg3A_338 : vector<16xf32> to vector<1x16xf32>
      tpu.vector_store %arg10[%swap3A_339, %swap3A_340], %swap3A_343 {strides = array<i32>} : memref<256x128xf32, #tpu.memory_space<vmem>>, vector<1x16xf32>,
      %mul3A_344 = arith.constant 2 : i32
      %mul3A_345 = arith.muli %scan3A_170, %mul3A_344 : i32
      %add3A_346 = arith.constant 1 : i32
      %add3A_347 = arith.addi %mul3A_345, %add3A_346 : i32
      %get3A_348 = arith.index_cast %add3A_347 : i32 to index
      %get3A_349 = arith.constant 48 : index
      %get3A_350 = tpu.vector_load %arg10[%get3A_348, %get3A_349] {strides = array<i32>} : memref<256x128xf32, #tpu.memory_space<vmem>>, vector<1x16xf32>,
      %get3A_351 = vector.shape_cast %get3A_350 : vector<1x16xf32> to vector<16xf32>
      %neg3A_352 = arith.constant 0.000000e+00 : f32
      %neg3A_353 = vector.broadcast %neg3A_352 : f32 to vector<16xf32>
      %neg3A_354 = arith.subf %neg3A_353, %get3A_351 : vector<16xf32>
      %swap3A_355 = arith.index_cast %add3A_347 : i32 to index
      %swap3A_356 = arith.constant 48 : index
      %swap3A_357 = tpu.vector_load %arg10[%swap3A_355, %swap3A_356] {strides = array<i32>} : memref<256x128xf32, #tpu.memory_space<vmem>>, vector<1x16xf32>,
      %swap3A_358 = vector.shape_cast %swap3A_357 : vector<1x16xf32> to vector<16xf32>
      %swap3A_359 = vector.shape_cast %neg3A_354 : vector<16xf32> to vector<1x16xf32>
      tpu.vector_store %arg10[%swap3A_355, %swap3A_356], %swap3A_359 {strides = array<i32>} : memref<256x128xf32, #tpu.memory_space<vmem>>, vector<1x16xf32>,
      %mul3A_360 = arith.constant 2 : i32
      %mul3A_361 = arith.muli %scan3A_170, %mul3A_360 : i32
      %add3A_362 = arith.constant 1 : i32
      %add3A_363 = arith.addi %mul3A_361, %add3A_362 : i32
      %get3A_364 = arith.index_cast %add3A_363 : i32 to index
      %get3A_365 = arith.constant 64 : index
      %get3A_366 = tpu.vector_load %arg10[%get3A_364, %get3A_365] {strides = array<i32>} : memref<256x128xf32, #tpu.memory_space<vmem>>, vector<1x16xf32>,
      %get3A_367 = vector.shape_cast %get3A_366 : vector<1x16xf32> to vector<16xf32>
      %neg3A_368 = arith.constant 0.000000e+00 : f32
      %neg3A_369 = vector.broadcast %neg3A_368 : f32 to vector<16xf32>
      %neg3A_370 = arith.subf %neg3A_369, %get3A_367 : vector<16xf32>
      %swap3A_371 = arith.index_cast %add3A_363 : i32 to index
      %swap3A_372 = arith.constant 64 : index
      %swap3A_373 = tpu.vector_load %arg10[%swap3A_371, %swap3A_372] {strides = array<i32>} : memref<256x128xf32, #tpu.memory_space<vmem>>, vector<1x16xf32>,
      %swap3A_374 = vector.shape_cast %swap3A_373 : vector<1x16xf32> to vector<16xf32>
      %swap3A_375 = vector.shape_cast %neg3A_370 : vector<16xf32> to vector<1x16xf32>
      tpu.vector_store %arg10[%swap3A_371, %swap3A_372], %swap3A_375 {strides = array<i32>} : memref<256x128xf32, #tpu.memory_space<vmem>>, vector<1x16xf32>,
      %mul3A_376 = arith.constant 2 : i32
      %mul3A_377 = arith.muli %scan3A_170, %mul3A_376 : i32
      %add3A_378 = arith.constant 1 : i32
      %add3A_379 = arith.addi %mul3A_377, %add3A_378 : i32
      %get3A_380 = arith.index_cast %add3A_379 : i32 to index
      %get3A_381 = arith.constant 80 : index
      %get3A_382 = tpu.vector_load %arg10[%get3A_380, %get3A_381] {strides = array<i32>} : memref<256x128xf32, #tpu.memory_space<vmem>>, vector<1x16xf32>,
      %get3A_383 = vector.shape_cast %get3A_382 : vector<1x16xf32> to vector<16xf32>
      %neg3A_384 = arith.constant 0.000000e+00 : f32
      %neg3A_385 = vector.broadcast %neg3A_384 : f32 to vector<16xf32>
      %neg3A_386 = arith.subf %neg3A_385, %get3A_383 : vector<16xf32>
      %swap3A_387 = arith.index_cast %add3A_379 : i32 to index
      %swap3A_388 = arith.constant 80 : index
      %swap3A_389 = tpu.vector_load %arg10[%swap3A_387, %swap3A_388] {strides = array<i32>} : memref<256x128xf32, #tpu.memory_space<vmem>>, vector<1x16xf32>,
      %swap3A_390 = vector.shape_cast %swap3A_389 : vector<1x16xf32> to vector<16xf32>
      %swap3A_391 = vector.shape_cast %neg3A_386 : vector<16xf32> to vector<1x16xf32>
      tpu.vector_store %arg10[%swap3A_387, %swap3A_388], %swap3A_391 {strides = array<i32>} : memref<256x128xf32, #tpu.memory_space<vmem>>, vector<1x16xf32>,
      %mul3A_392 = arith.constant 2 : i32
      %mul3A_393 = arith.muli %scan3A_170, %mul3A_392 : i32
      %add3A_394 = arith.constant 1 : i32
      %add3A_395 = arith.addi %mul3A_393, %add3A_394 : i32
      %get3A_396 = arith.index_cast %add3A_395 : i32 to index
      %get3A_397 = arith.constant 96 : index
      %get3A_398 = tpu.vector_load %arg10[%get3A_396, %get3A_397] {strides = array<i32>} : memref<256x128xf32, #tpu.memory_space<vmem>>, vector<1x16xf32>,
      %get3A_399 = vector.shape_cast %get3A_398 : vector<1x16xf32> to vector<16xf32>
      %neg3A_400 = arith.constant 0.000000e+00 : f32
      %neg3A_401 = vector.broadcast %neg3A_400 : f32 to vector<16xf32>
      %neg3A_402 = arith.subf %neg3A_401, %get3A_399 : vector<16xf32>
      %swap3A_403 = arith.index_cast %add3A_395 : i32 to index
      %swap3A_404 = arith.constant 96 : index
      %swap3A_405 = tpu.vector_load %arg10[%swap3A_403, %swap3A_404] {strides = array<i32>} : memref<256x128xf32, #tpu.memory_space<vmem>>, vector<1x16xf32>,
      %swap3A_406 = vector.shape_cast %swap3A_405 : vector<1x16xf32> to vector<16xf32>
      %swap3A_407 = vector.shape_cast %neg3A_402 : vector<16xf32> to vector<1x16xf32>
      tpu.vector_store %arg10[%swap3A_403, %swap3A_404], %swap3A_407 {strides = array<i32>} : memref<256x128xf32, #tpu.memory_space<vmem>>, vector<1x16xf32>,
      %mul3A_408 = arith.constant 2 : i32
      %mul3A_409 = arith.muli %scan3A_170, %mul3A_408 : i32
      %add3A_410 = arith.constant 1 : i32
      %add3A_411 = arith.addi %mul3A_409, %add3A_410 : i32
      %get3A_412 = arith.index_cast %add3A_411 : i32 to index
      %get3A_413 = arith.constant 112 : index
      %get3A_414 = tpu.vector_load %arg10[%get3A_412, %get3A_413] {strides = array<i32>} : memref<256x128xf32, #tpu.memory_space<vmem>>, vector<1x16xf32>,
      %get3A_415 = vector.shape_cast %get3A_414 : vector<1x16xf32> to vector<16xf32>
      %neg3A_416 = arith.constant 0.000000e+00 : f32
      %neg3A_417 = vector.broadcast %neg3A_416 : f32 to vector<16xf32>
      %neg3A_418 = arith.subf %neg3A_417, %get3A_415 : vector<16xf32>
      %swap3A_419 = arith.index_cast %add3A_411 : i32 to index
      %swap3A_420 = arith.constant 112 : index
      %swap3A_421 = tpu.vector_load %arg10[%swap3A_419, %swap3A_420] {strides = array<i32>} : memref<256x128xf32, #tpu.memory_space<vmem>>, vector<1x16xf32>,
      %swap3A_422 = vector.shape_cast %swap3A_421 : vector<1x16xf32> to vector<16xf32>
      %swap3A_423 = vector.shape_cast %neg3A_418 : vector<16xf32> to vector<1x16xf32>
      tpu.vector_store %arg10[%swap3A_419, %swap3A_420], %swap3A_423 {strides = array<i32>} : memref<256x128xf32, #tpu.memory_space<vmem>>, vector<1x16xf32>,
    }
    %scan3A_106 = arith.constant 128 : i32
    %dma_start3A_107 = arith.constant 2 : i32
    %dma_start3A_108 = arith.constant 256 : i32
    %dma_start3A_109 = tpu.memref_slice %arg7[%dma_start3A_108] : memref<512xi32, #tpu.memory_space<vmem>> -> memref<256xi32, #tpu.memory_space<vmem>>
    %dma_start3A_110 = arith.constant 0 : i32
    %dma_start3A_111 = arith.constant 0 : i32
    %dma_start3A_112 = tpu.memref_slice %arg2[%dma_start3A_110, %dma_start3A_111] : memref<100000x128xf32, #tpu.memory_space<hbm>> -> memref<100000x128xf32, #tpu.memory_space<hbm>>
    %dma_start3A_113 = tpu.memref_slice %arg12[%dma_start3A_107] : memref<3x!tpu.dma_semaphore, #tpu.memory_space<semaphore_mem>> -> memref<1x!tpu.dma_semaphore, #tpu.memory_space<semaphore_mem>>
    %dma_start3A_114 = tpu.memref_squeeze %dma_start3A_113 : memref<1x!tpu.dma_semaphore, #tpu.memory_space<semaphore_mem>> -> memref<!tpu.dma_semaphore, #tpu.memory_space<semaphore_mem>>
    tpu.enqueue_indirect_dma source(%dma_start3A_112 : memref<100000x128xf32, #tpu.memory_space<hbm>>) target(%arg10 : memref<256x128xf32, #tpu.memory_space<vmem>>) offsets(%dma_start3A_109 : memref<256xi32, #tpu.memory_space<vmem>>) semaphore(%dma_start3A_114 : memref<!tpu.dma_semaphore, #tpu.memory_space<semaphore_mem>>) {add = true}
    %dma_wait3A_115 = arith.constant 1 : i32
    %dma_wait3A_116 = arith.constant 96 : i32
    %dma_wait3A_117 = tpu.memref_slice %arg7[%dma_wait3A_116] : memref<512xi32, #tpu.memory_space<vmem>> -> memref<160xi32, #tpu.memory_space<vmem>>
    %dma_wait3A_118 = arith.constant 0 : i32
    %dma_wait3A_119 = arith.constant 0 : i32
    %dma_wait3A_120 = tpu.memref_slice %arg2[%dma_wait3A_118, %dma_wait3A_119] : memref<100000x128xf32, #tpu.memory_space<hbm>> -> memref<100000x128xf32, #tpu.memory_space<hbm>>
    %dma_wait3A_121 = tpu.memref_slice %arg12[%dma_wait3A_115] : memref<3x!tpu.dma_semaphore, #tpu.memory_space<semaphore_mem>> -> memref<1x!tpu.dma_semaphore, #tpu.memory_space<semaphore_mem>>
    %dma_wait3A_122 = tpu.memref_squeeze %dma_wait3A_121 : memref<1x!tpu.dma_semaphore, #tpu.memory_space<semaphore_mem>> -> memref<!tpu.dma_semaphore, #tpu.memory_space<semaphore_mem>>
    tpu.wait_indirect_dma semaphore(%dma_wait3A_122 : memref<!tpu.dma_semaphore, #tpu.memory_space<semaphore_mem>>) src(%dma_wait3A_120 : memref<100000x128xf32, #tpu.memory_space<hbm>>) dst(%arg9 : memref<160x128xf32, #tpu.memory_space<vmem>>)
    %add3A_123 = arith.constant 96 : i32
    %add3A_124 = arith.addi %mul3A_2, %add3A_123 : i32
    %dma_start3A_125 = arith.constant 1 : i32
    %dma_start3A_126 = arith.constant 0 : i32
    %dma_start3A_127 = tpu.memref_slice %arg5[%add3A_124, %dma_start3A_126] : memref<16384x128xf32, #tpu.memory_space<hbm>> -> memref<160x128xf32, #tpu.memory_space<hbm>>
    %dma_start3A_128 = tpu.memref_slice %arg13[%dma_start3A_125] : memref<3x!tpu.dma_semaphore, #tpu.memory_space<semaphore_mem>> -> memref<1x!tpu.dma_semaphore, #tpu.memory_space<semaphore_mem>>
    %dma_start3A_129 = tpu.memref_squeeze %dma_start3A_128 : memref<1x!tpu.dma_semaphore, #tpu.memory_space<semaphore_mem>> -> memref<!tpu.dma_semaphore, #tpu.memory_space<semaphore_mem>>
    %dma_start3A_130 = arith.constant 0 : i32
    %dma_start3A_131 = tpu.memref_slice %arg5[%add3A_124, %dma_start3A_130] : memref<16384x128xf32, #tpu.memory_space<hbm>> -> memref<160x128xf32, #tpu.memory_space<hbm>>
    tpu.enqueue_dma source(%arg9 : memref<160x128xf32, #tpu.memory_space<vmem>>) target(%dma_start3A_131 : memref<160x128xf32, #tpu.memory_space<hbm>>) target_semaphore(%dma_start3A_129 : memref<!tpu.dma_semaphore, #tpu.memory_space<semaphore_mem>>)
    %dma_wait3A_132 = arith.constant 2 : i32
    %dma_wait3A_133 = arith.constant 256 : i32
    %dma_wait3A_134 = tpu.memref_slice %arg7[%dma_wait3A_133] : memref<512xi32, #tpu.memory_space<vmem>> -> memref<256xi32, #tpu.memory_space<vmem>>
    %dma_wait3A_135 = arith.constant 0 : i32
    %dma_wait3A_136 = arith.constant 0 : i32
    %dma_wait3A_137 = tpu.memref_slice %arg2[%dma_wait3A_135, %dma_wait3A_136] : memref<100000x128xf32, #tpu.memory_space<hbm>> -> memref<100000x128xf32, #tpu.memory_space<hbm>>
    %dma_wait3A_138 = tpu.memref_slice %arg12[%dma_wait3A_132] : memref<3x!tpu.dma_semaphore, #tpu.memory_space<semaphore_mem>> -> memref<1x!tpu.dma_semaphore, #tpu.memory_space<semaphore_mem>>
    %dma_wait3A_139 = tpu.memref_squeeze %dma_wait3A_138 : memref<1x!tpu.dma_semaphore, #tpu.memory_space<semaphore_mem>> -> memref<!tpu.dma_semaphore, #tpu.memory_space<semaphore_mem>>
    tpu.wait_indirect_dma semaphore(%dma_wait3A_139 : memref<!tpu.dma_semaphore, #tpu.memory_space<semaphore_mem>>) src(%dma_wait3A_137 : memref<100000x128xf32, #tpu.memory_space<hbm>>) dst(%arg10 : memref<256x128xf32, #tpu.memory_space<vmem>>)
    %add3A_140 = arith.constant 256 : i32
    %add3A_141 = arith.addi %mul3A_2, %add3A_140 : i32
    %dma_start3A_142 = arith.constant 2 : i32
    %dma_start3A_143 = arith.constant 0 : i32
    %dma_start3A_144 = tpu.memref_slice %arg5[%add3A_141, %dma_start3A_143] : memref<16384x128xf32, #tpu.memory_space<hbm>> -> memref<256x128xf32, #tpu.memory_space<hbm>>
    %dma_start3A_145 = tpu.memref_slice %arg13[%dma_start3A_142] : memref<3x!tpu.dma_semaphore, #tpu.memory_space<semaphore_mem>> -> memref<1x!tpu.dma_semaphore, #tpu.memory_space<semaphore_mem>>
    %dma_start3A_146 = tpu.memref_squeeze %dma_start3A_145 : memref<1x!tpu.dma_semaphore, #tpu.memory_space<semaphore_mem>> -> memref<!tpu.dma_semaphore, #tpu.memory_space<semaphore_mem>>
    %dma_start3A_147 = arith.constant 0 : i32
    %dma_start3A_148 = tpu.memref_slice %arg5[%add3A_141, %dma_start3A_147] : memref<16384x128xf32, #tpu.memory_space<hbm>> -> memref<256x128xf32, #tpu.memory_space<hbm>>
    tpu.enqueue_dma source(%arg10 : memref<256x128xf32, #tpu.memory_space<vmem>>) target(%dma_start3A_148 : memref<256x128xf32, #tpu.memory_space<hbm>>) target_semaphore(%dma_start3A_146 : memref<!tpu.dma_semaphore, #tpu.memory_space<semaphore_mem>>)
    %dma_wait3A_149 = arith.constant 0 : i32
    %dma_wait3A_150 = arith.constant 0 : i32
    %dma_wait3A_151 = tpu.memref_slice %arg5[%add3A_85, %dma_wait3A_150] : memref<16384x128xf32, #tpu.memory_space<hbm>> -> memref<96x128xf32, #tpu.memory_space<hbm>>
    %dma_wait3A_152 = tpu.memref_slice %arg13[%dma_wait3A_149] : memref<3x!tpu.dma_semaphore, #tpu.memory_space<semaphore_mem>> -> memref<1x!tpu.dma_semaphore, #tpu.memory_space<semaphore_mem>>
    %dma_wait3A_153 = tpu.memref_squeeze %dma_wait3A_152 : memref<1x!tpu.dma_semaphore, #tpu.memory_space<semaphore_mem>> -> memref<!tpu.dma_semaphore, #tpu.memory_space<semaphore_mem>>
    %dma_wait3A_154 = arith.constant 0 : i32
    %dma_wait3A_155 = tpu.memref_slice %arg5[%add3A_85, %dma_wait3A_154] : memref<16384x128xf32, #tpu.memory_space<hbm>> -> memref<96x128xf32, #tpu.memory_space<hbm>>
    tpu.wait_dma2 semaphore(%dma_wait3A_153 : memref<!tpu.dma_semaphore, #tpu.memory_space<semaphore_mem>>) src(%arg8 : memref<96x128xf32, #tpu.memory_space<vmem>>) dst(%dma_wait3A_155 : memref<96x128xf32, #tpu.memory_space<hbm>>)
    %dma_wait3A_156 = arith.constant 1 : i32
    %dma_wait3A_157 = arith.constant 0 : i32
    %dma_wait3A_158 = tpu.memref_slice %arg5[%add3A_124, %dma_wait3A_157] : memref<16384x128xf32, #tpu.memory_space<hbm>> -> memref<160x128xf32, #tpu.memory_space<hbm>>
    %dma_wait3A_159 = tpu.memref_slice %arg13[%dma_wait3A_156] : memref<3x!tpu.dma_semaphore, #tpu.memory_space<semaphore_mem>> -> memref<1x!tpu.dma_semaphore, #tpu.memory_space<semaphore_mem>>
    %dma_wait3A_160 = tpu.memref_squeeze %dma_wait3A_159 : memref<1x!tpu.dma_semaphore, #tpu.memory_space<semaphore_mem>> -> memref<!tpu.dma_semaphore, #tpu.memory_space<semaphore_mem>>
    %dma_wait3A_161 = arith.constant 0 : i32
    %dma_wait3A_162 = tpu.memref_slice %arg5[%add3A_124, %dma_wait3A_161] : memref<16384x128xf32, #tpu.memory_space<hbm>> -> memref<160x128xf32, #tpu.memory_space<hbm>>
    tpu.wait_dma2 semaphore(%dma_wait3A_160 : memref<!tpu.dma_semaphore, #tpu.memory_space<semaphore_mem>>) src(%arg9 : memref<160x128xf32, #tpu.memory_space<vmem>>) dst(%dma_wait3A_162 : memref<160x128xf32, #tpu.memory_space<hbm>>)
    %dma_wait3A_163 = arith.constant 2 : i32
    %dma_wait3A_164 = arith.constant 0 : i32
    %dma_wait3A_165 = tpu.memref_slice %arg5[%add3A_141, %dma_wait3A_164] : memref<16384x128xf32, #tpu.memory_space<hbm>> -> memref<256x128xf32, #tpu.memory_space<hbm>>
    %dma_wait3A_166 = tpu.memref_slice %arg13[%dma_wait3A_163] : memref<3x!tpu.dma_semaphore, #tpu.memory_space<semaphore_mem>> -> memref<1x!tpu.dma_semaphore, #tpu.memory_space<semaphore_mem>>
    %dma_wait3A_167 = tpu.memref_squeeze %dma_wait3A_166 : memref<1x!tpu.dma_semaphore, #tpu.memory_space<semaphore_mem>> -> memref<!tpu.dma_semaphore, #tpu.memory_space<semaphore_mem>>
    %dma_wait3A_168 = arith.constant 0 : i32
    %dma_wait3A_169 = tpu.memref_slice %arg5[%add3A_141, %dma_wait3A_168] : memref<16384x128xf32, #tpu.memory_space<hbm>> -> memref<256x128xf32, #tpu.memory_space<hbm>>
    tpu.wait_dma2 semaphore(%dma_wait3A_167 : memref<!tpu.dma_semaphore, #tpu.memory_space<semaphore_mem>>) src(%arg10 : memref<256x128xf32, #tpu.memory_space<vmem>>) dst(%dma_wait3A_169 : memref<256x128xf32, #tpu.memory_space<hbm>>)
    return
  }
}

</mosaic_0001>

<sc_bundles>
// kernel: kernel.3.cloned.1.call-start
scs
__scs_entry_jumppad:
0x0: {  	(pc) =	sbr.rel $0x88, $3  }
0x1: {  	(tag) =	ssettag $0x0;
	lr =	simm.s32 $0x1  }
0x2: {  	[smem:$0x3F9E] =	sst lr;
	_ =	strace $0xD0000000  }
0x3: {  	_ = 	snop  }
0x4: {  	_ = 	snop  }
0x5: {  	_ = 	snop  }
0x6: {  	_ = 	snop  }
0x7: {  	_ = 	snop  }
__scs_overlays_trampoline_lowered:
0x8: {  	[smem:$0x3FAD] =	sst s0  }
0x9: {  	[smem:$0x3FAE] =	sst s1  }
0xa: {  	[smem:$0x3FAF] =	sst s2  }
0xb: {  	[smem:$0x3FB0] =	sst s3  }
0xc: {  	[smem:$0x3FB1] =	sst s4  }
0xd: {  	[smem:$0x3FB2] =	sst s5  }
0xe: {  	[smem:$0x3FB3] =	sst s6  }
0xf: {  	[smem:$0x3FB4] =	sst s7  }
0x10: {  	[smem:$0x3FB5] =	sst s8  }
0x11: {  	[smem:$0x3FB6] =	sst s9;
	s0 =	simm.s32 @!p0 $0x0  }
0x12: {  	s1 =	sld [smem:$0x3F9C];
	s0 =	simm.s32 @p0 $0x1  }
0x13: {  	[smem:$0x3FB7] =	sst s0;
	s0 =	simm.s32 @!p1 $0x0  }
0x14: {  	s2 =	sld [smem:$0x3F9B];
	s0 =	simm.s32 @p1 $0x1  }
0x15: {  	[smem:$0x3FB8] =	sst s0;
	s0 =	simm.s32 @!p2 $0x0  }
0x16: {  	s3 =	sld [smem:$0x3FDB];
	s0 =	simm.s32 @p2 $0x1  }
0x17: {  	s4 =	simm.s32 $0x1BF5;
	[smem:$0x3FBA] =	sst s0  }
0x18: {  	s0 =	sld [smem:$0x3F9D];
	_ =	swait.ge [sflag:s4], $0x0  }
0x19: {  	s7 =	sld [smem:$0x3F9E]  }
0x1a: {  	s8 =	sadd.s32 $0xFFFFE003, lr  }
0x1b: {  	s9 =	sadd.s32 $0xFFFFFEF7, lr;
	s5 =	simm.s32 $0xFFFFFFFF;
	p2 =	slt.u32 s8, $0xFFFFF086  }
0x1c: {  	p1 =	slt.u32 s9, $0xF7A;
	s5 =	simm.s32 @!p2 $0x0  }
0x1d: {  	s5 =	simm.s32 @p1 $0x1;
	p0 =	seq.s32 s7, s2  }
0x1e: {  	s7 =	smul.u32 @!p0 $0xF7A, s2;
	p2 =	seq.s32 @!p0 s5, $0x0  }
0x1f: {  	s9 =	smul.u32 $0xF7A, s1;
	s8 =	simm.s32 @!p0 $0x1BF5;
	p2 =	por !p2, p0  }
0x20: {  	[sflag:s8] =	ssyncset.s32 @!p0 $0xFFFFF086;
	s6 =	sadd.s32 @!p0 s3, s7;
	s7 =	simm.s32 @!p0 $0x108  }
0x21: {  	s3 =	sadd.s32 s3, s9;
	s6 =	sadd.s32 @!p0 $0x88, s6;
	s7 =	simm.s32 @p2 $0x1082  }
0x22: {  	[simem:s7], [sflag:s8] =	dma.local @!p0 [hbm:s6], $0xF7A  }
0x23: {  	s9 =	sor.u32 $0xD0000000, s2;
	s6 =	simm.s32 $0x108;
	_ =	swait.ge @!p0 [sflag:s8], $0x0  }
0x24: {  	s3 =	sadd.s32 $0x88, s3;
	s6 =	simm.s32 @!p1 $0x1082;
	[sflag:s4] =	ssyncset.s32 $0xFFFFF086  }
0x25: {  	[simem:s6], [sflag:s4] =	dma.local [hbm:s3], $0xF7A  }
0x26: {  	[smem:$0x3F9E] =	sst s1;
	(tag) =	ssettag s2;
	_ =	strace s9  }
0x27: {  	s1 =	sld [smem:$0x3FAE]  }
0x28: {  	s2 =	sld [smem:$0x3FAF]  }
0x29: {  	s4 =	sld [smem:$0x3FB1]  }
0x2a: {  	p0 =	seq.s32 s5, $0x0;
	s5 =	sld [smem:$0x3FB2]  }
0x2b: {  	s6 =	sld [smem:$0x3FB3]  }
0x2c: {  	s7 =	sld [smem:$0x3FB4]  }
0x2d: {  	s3 =	simm.s32 $0x108;
	s8 =	sld [smem:$0x3FB5]  }
0x2e: {  	s3 =	simm.s32 @!p0 $0x1082;
	s9 =	sld [smem:$0x3FB6]  }
0x2f: {  	lr =	sadd.s32 s0, s3;
	s0 =	sld [smem:$0x3FAD]  }
0x30: {  	s3 =	sld [smem:$0x3FB0]  }
0x31: {  	[smem:$0x3FB9] =	sst s10  }
0x32: {  	s10 =	sld [smem:$0x3FB7];
	_ =	sdelay $0x3  }
0x33: {  	p0 =	seq.s32 s10, $0x1;
	s10 =	sld [smem:$0x3FB9];
	_ =	sdelay $0x3  }
0x34: {  	[smem:$0x3FB9] =	sst s10  }
0x35: {  	s10 =	sld [smem:$0x3FB8];
	_ =	sdelay $0x3  }
0x36: {  	p1 =	seq.s32 s10, $0x1;
	s10 =	sld [smem:$0x3FB9];
	_ =	sdelay $0x3  }
0x37: {  	[smem:$0x3FB9] =	sst s10  }
0x38: {  	s10 =	sld [smem:$0x3FBA]  }
0x39: {  	_ = 	snop;
	(pc) =	sbr.ind lr, $3  }
0x3a: {  	_ = 	snop  }
0x3b: {  	_ = 	snop  }
0x3c: {  	p2 =	seq.s32 s10, $0x1;
	s10 =	sld [smem:$0x3FB9]  }
0x3d: {  	_ =	shalt  }
0x3e: {  	_ =	shalt  }
0x3f: {  	_ =	shalt  }
0x40: {  	_ =	shalt  }
0x41: {  	_ =	shalt  }
0x42: {  	_ =	shalt  }
0x43: {  	_ =	shalt  }
0x44: {  	_ =	shalt  }
0x45: {  	_ =	shalt  }
0x46: {  	_ =	shalt  }
0x47: {  	_ =	shalt  }
0x48: {  	_ =	shalt  }
0x49: {  	_ =	shalt  }
0x4a: {  	_ =	shalt  }
0x4b: {  	_ =	shalt  }
0x4c: {  	_ =	shalt  }
0x4d: {  	_ =	shalt  }
0x4e: {  	_ =	shalt  }
0x4f: {  	_ =	shalt  }
0x50: {  	_ =	shalt  }
0x51: {  	_ =	shalt  }
0x52: {  	_ =	shalt  }
0x53: {  	_ =	shalt  }
0x54: {  	_ =	shalt  }
0x55: {  	_ =	shalt  }
0x56: {  	_ =	shalt  }
0x57: {  	_ =	shalt  }
0x58: {  	_ =	shalt  }
0x59: {  	_ =	shalt  }
0x5a: {  	_ =	shalt  }
0x5b: {  	_ =	shalt  }
0x5c: {  	_ =	shalt  }
0x5d: {  	_ =	shalt  }
0x5e: {  	_ =	shalt  }
0x5f: {  	_ =	shalt  }
0x60: {  	_ =	shalt  }
0x61: {  	_ =	shalt  }
0x62: {  	_ =	shalt  }
0x63: {  	_ =	shalt  }
0x64: {  	_ =	shalt  }
0x65: {  	_ =	shalt  }
0x66: {  	_ =	shalt  }
0x67: {  	_ =	shalt  }
0x68: {  	_ =	shalt  }
0x69: {  	_ =	shalt  }
0x6a: {  	_ =	shalt  }
0x6b: {  	_ =	shalt  }
0x6c: {  	_ =	shalt  }
0x6d: {  	_ =	shalt  }
0x6e: {  	_ =	shalt  }
0x6f: {  	_ =	shalt  }
0x70: {  	_ =	shalt  }
0x71: {  	_ =	shalt  }
0x72: {  	_ =	shalt  }
0x73: {  	_ =	shalt  }
0x74: {  	_ =	shalt  }
0x75: {  	_ =	shalt  }
0x76: {  	_ =	shalt  }
0x77: {  	_ =	shalt  }
0x78: {  	_ =	shalt  }
0x79: {  	_ =	shalt  }
0x7a: {  	_ =	shalt  }
0x7b: {  	_ =	shalt  }
0x7c: {  	_ =	shalt  }
0x7d: {  	_ =	shalt  }
0x7e: {  	_ =	shalt  }
0x7f: {  	_ =	shalt  }
0x80: {  	_ =	shalt  }
0x81: {  	_ =	shalt  }
0x82: {  	_ =	shalt  }
0x83: {  	_ =	shalt  }
0x84: {  	_ =	shalt  }
0x85: {  	_ =	shalt  }
0x86: {  	_ =	shalt  }
0x87: {  	_ =	shalt  }
.Lfunc_end0:
.L_simem_size_0:
called_computation_lowered:
.L_overlay_start_0:
0x88: {  	s2 =	sld [smem:$0x3FD9]  }
0x89: {  	s3 =	sld [smem:$0x3FFE];
	_ =	sdelay $0x1  }
0x8a: {  	s1 =	srdreg.scid  }
0x8b: {  	s0 =	sand.u32 $0x1, s1  }
0x8c: {  	s18 =	sshll.u32 s0, $0xA;
	s2 =	sadd.s32 s3, s2  }
0x8d: {  	s2 =	sadd.s32 s2, s18  }
0x8e: {  	[smem:$0x3FC5] =	sst s2  }
0x8f: {  	_ = 	snop  }
0x90: {  	s2 =	sld [smem:$0x3FC9]  }
0x91: {  	s19 =	sld [smem:$0x3FC8]  }
0x92: {  	s4 =	sld [smem:$0x3FC7]  }
0x93: {  	s5 =	sld [smem:$0x3FD0];
	(tm) =	ssettm $0x1  }
0x94: {  	s6 =	sld [smem:$0x3FFB];
	_ =	sdelay $0x3  }
0x95: {  	_ =	strace s6  }
0x96: {  	s6 =	sld [smem:$0x3FFC];
	_ =	sdelay $0x3  }
0x97: {  	_ =	strace s6  }
0x98: {  	s6 =	sld [smem:$0x3FFD];
	_ =	sdelay $0x3  }
0x99: {  	_ =	strace s6  }
0x9a: {  	_ =	strace $0x8FFFFFFF  }
0x9b: {  	s20 =	sld [smem:$0x3FDB];
	_ =	sdelay $0x1  }
0x9c: {  	s7 =	simm.s32 $_scs_section_size  }
0x9d: {  	s8 =	simm.s32 $_size__tile_overlayer_lowered;
	s9 =	simm.s32 $_tile_overlayer_lowered  }
0x9e: {  	s23 =	simm.s32 $0x1BFF;
	s22 =	sshll.u32 s9, $0x1;
	s6 =	sadd.s32 s7, s20  }
0x9f: {  	s10 =	simm.s32 $0x0;
	s21 =	sshll.u32 s8, $0x1;
	s8 =	sadd.s32 s22, s6  }
0xa0: {  	[timem:s10], [sflag:s23] =	dma.local [hbm:s8], s21  }
0xa1: {  	_ =	swait.ge [sflag:s23], s21  }
0xa2: {  	s7 =	ssub.s32 $0x0, s21;
	[sflag:s23] =	ssyncset.done $0x0  }
0xa3: {  	[sflag:s23] =	ssyncadd.s32 s7;
	_ =	sdelay $0x1  }
0xa4: {  	s24 =	simm.s32 $0x1B8B  }
0xa5: {  	_ =	swait.ge [sflag:s24], $0x1  }
0xa6: {  	[sflag:s24] =	ssyncset.done $0x0  }
0xa7: {  	s25 =	simm.s32 $0x1B8E;
	[sflag:s24] =	ssyncadd.s32 $0xFFFFFFFF  }
0xa8: {  	s26 =	simm.s32 $execute0_lowered;
	[smem:$0x3FD2] =	sst s25  }
0xa9: {  	s7 =	sshll.u32 s26, $0x1;
	_ =	strace $0x80000046;
	[dreg:$0x1] =	wrdreg $0xFFFFFFFF  }
0xaa: {  	s28 =	simm.s32 $_size_execute0_lowered;
	s6 =	sadd.s32 s6, s7;
	[dreg:$0x0] =	wrdreg $0x0  }
0xab: {  	s7 =	sshll.u32 s28, $0x1;
	[dreg:$0x2] =	wrdreg s6  }
0xac: {  	[dreg:$0x3] =	wrdreg s7  }
0xad: {  	[dreg:$0x4] =	wrdreg $0xC0  }
0xae: {  	_ =	task [dreg:s10], $0x5FFFF  }
0xaf: {  	[dreg:$0x1] =	wrdreg $0xFFFFFFFF  }
0xb0: {  	[dreg:$0x0] =	wrdreg $0x60  }
0xb1: {  	[dreg:$0x2] =	wrdreg s2  }
0xb2: {  	[dreg:$0x3] =	wrdreg s19  }
0xb3: {  	[dreg:$0x4] =	wrdreg s4  }
0xb4: {  	[dreg:$0x5] =	wrdreg s5  }
0xb5: {  	[dreg:$0x6] =	wrdreg $0x9  }
0xb6: {  	_ =	task.clear_ibuf [dreg:s10], $0x7FFFF;
	_ =	strace $0x90000046  }
0xb7: {  	s29 =	simm.s32 $0x9;
	_ =	strace $0x80000048  }
0xb8: {  	_ =	swait.ge [sflag:s29], $0x1  }
0xb9: {  	[sflag:s29] =	ssyncadd.s32 $0xFFFFFFFF  }
0xba: {  	_ =	strace $0x90000048  }
0xbb: {  	_ =	sfence  }
0xbc: {  	s30 =	sld [smem:$0x0];
	_ =	sdelay $0x2  }
0xbd: {  	s31 =	sshll.u32 s1, $0xD;
	s1 =	sshrl.u32 s1, $0x2  }
0xbe: {  	s3 =	sand.u32 $0x4000, s31;
	s1 =	sadd.s32 s1, s30  }
0xbf: {  	s0 =	sor.u32 s3, s0;
	s1 =	sshll.u32 s1, $0x11  }
0xc0: {  	s0 =	sor.u32 s1, s0  }
0xc1: {  	s0 =	sadd.s32 $0x8F2B, s0  }
0xc2: {  	[sflag:s0] =	ssyncadd.remote.s32 $0x1  }
0xc3: {  	_ =	sfence.sel $0xFFFF  }
0xc4: {  	[dreg:$0x0] =	wrdreg $0xFFFFFFFF;
	(pc) =	sbr.abs _section_cstart, $3  }
0xc5: {  	[dreg:$0x1] =	wrdreg $0xFFFFFFFF  }
0xc6: {  	_ =	task.clear_ibuf [dreg:s10], $0x2FFFF;
	_ =	strace $0x9FFFFFFF  }
0xc7: {  	(tm) =	ssettm $0x7FFFFFFF  }
tec
execute0_lowered:
.L_overlay_start_1:
0x0: {  	(tag) =	ssettag $0x1  }
0x1: {  	s1 =	rddreg [dreg:$0x0]  }
0x2: {  	s4 =	rddreg [dreg:$0x1]  }
0x3: {  	s6 =	rddreg [dreg:$0x2]  }
0x4: {  	s5 =	rddreg [dreg:$0x3]  }
0x5: {  	s0 =	rddreg [dreg:$0x4];
	s7 =	srdreg.scid  }
0x6: {  	s3 =	simm.s32 $0x0;
	s2 =	stileid.u32;
	s11 =	simm.s32 $0x1  }
0x7: {  	s12 =	simm.s32 $0x60;
	s13 =	simm.s32 $0x400;
	s14 =	simm.s32 $0xA0  }
0x8: {  	s15 =	simm.s32 $0x3400;
	s16 =	simm.s32 $0x100;
	s17 =	simm.s32 $0x8400  }
0x9: {  	s18 =	simm.s32 $0x2;
	s19 =	simm.s32 $0x3;
	s20 =	simm.s32 $0x260  }
0xa: {  	s21 =	simm.s32 $0x4;
	s22 =	simm.s32 $0x300;
	s23 =	simm.s32 $0x5  }
0xb: {  	s24 =	simm.s32 $0x6;
	s25 =	simm.s32 $0x7;
	s7 =	sand.u32 $0x1, s7  }
0xc: {  	s26 =	simm.s32 $0x0;
	s8 =	sshll.u32 s2, $0xA;
	s9 =	sshll.u32 s7, $0x9  }
0xd: {  	[smem:$0x7FF] =	sst s3;
	s7 =	ssub.s32 $0x2, s7;
	s8 =	sor.u32 s9, s8  }
0xe: {  	_ =	strace $0x80000047;
	s31 =	sshrl.u32 s7, $0x1;
	s10 =	sshrl.u32 s8, $0x3  }
0xf: {  	s8 =	sshll.u32 s8, $0x4;
	s9 =	ssub.s32 s7, s31;
	s4 =	sadd.s32 s4, s10  }
0x10: {  	s5 =	sadd.s32 s5, s8;
	s6 =	sadd.s32 s6, s10;
	s9 =	smax.u32 s9, $0x1  }
0x11: {  	s10 =	simm.s32 $0x200;
	s7 =	sadd.s32 $0x600, s5;
	s8 =	sadd.s32 $0x1000, s5  }
.LBB2_1:
0x12: {  	[tilespmem:s3], [sflag:$0x1] =	stream.linear.gather [hbm4b:s4+s3], $0x200, $0x38;
	[tilespmem:$0x10400] =	vst v63  }
0x13: {  	_ = 	snop  }
0x14: {  	[tilespmem:s10], [sflag:$0x1] =	stream.linear.gather [hbm4b:s6+s3], $0x200, $0x38;
	[tilespmem:$0x10400] =	vst v63  }
0x15: {  	_ =	swait.ge [sflag:s11], $0x200  }
0x16: {  	[sflag:s11] =	ssyncset.done $0x0  }
0x17: {  	[sflag:s11] =	ssyncadd.s32 $0xFFFFFE00  }
0x18: {  	[tilespmem:s13], [sflag:$0x2] =	stream.indirect.gather [hbm4b:s1+s12], $0x80, s3, s12, $0xb8;
	[tilespmem:$0x10400] =	vst v63  }
0x19: {  	_ = 	snop  }
0x1a: {  	[tilespmem:s15], [sflag:$0x3] =	stream.indirect.gather [hbm4b:s1+s14], $0x80, s12, s14, $0xb8;
	[tilespmem:$0x10400] =	vst v63  }
0x1b: {  	_ = 	snop  }
0x1c: {  	[tilespmem:s17], [sflag:$0x4] =	stream.indirect.gather [hbm4b:s1+s16], $0x80, s16, s16, $0xb8;
	[tilespmem:$0x10400] =	vst v63  }
0x1d: {  	_ =	swait.ge [sflag:s11], $0x200  }
0x1e: {  	[sflag:s11] =	ssyncset.done $0x0  }
0x1f: {  	[sflag:s11] =	ssyncadd.s32 $0xFFFFFE00  }
0x20: {  	_ =	swait.ge [sflag:s18], $0x3000  }
0x21: {  	[sflag:s18] =	ssyncset.done $0x0  }
0x22: {  	s28 =	simm.s32 $0x0;
	[sflag:s18] =	ssyncadd.s32 $0xFFFFD000  }
0x23: {  	v0 =	vld [tilespmem:s28+$0x400]  }
0x24: {  	v1 =	vld [tilespmem:s28+$0x410]  }
0x25: {  	v2 =	vld [tilespmem:s28+$0x420]  }
0x26: {  	v3 =	vld [tilespmem:s28+$0x430]  }
0x27: {  	v4 =	vld [tilespmem:s28+$0x440]  }
0x28: {  	v5 =	vld [tilespmem:s28+$0x450];
	v0 =	vsub.f32 $0.0e+00, v0  }
0x29: {  	v6 =	vld [tilespmem:s28+$0x460];
	v1 =	vsub.f32 $0.0e+00, v1  }
0x2a: {  	v7 =	vld [tilespmem:s28+$0x470];
	[tilespmem:s28+$0x400] =	vst v0;
	v0 =	vsub.f32 $0.0e+00, v2  }
0x2b: {  	v8 =	vld [tilespmem:s28+$0x480];
	[tilespmem:s28+$0x410] =	vst v1;
	v1 =	vsub.f32 $0.0e+00, v3  }
0x2c: {  	v9 =	vld [tilespmem:s28+$0x490];
	[tilespmem:s28+$0x420] =	vst v0;
	v0 =	vsub.f32 $0.0e+00, v4  }
0x2d: {  	v2 =	vsub.f32 $0.0e+00, v5;
	[tilespmem:s28+$0x430] =	vst v1;
	v1 =	vld [tilespmem:s28+$0x4A0]  }
0x2e: {  	v3 =	vsub.f32 $0.0e+00, v6;
	[tilespmem:s28+$0x440] =	vst v0;
	v0 =	vld [tilespmem:s28+$0x4B0]  }
0x2f: {  	[tilespmem:s28+$0x450] =	vst v2;
	v2 =	vld [tilespmem:s28+$0x4C0];
	v4 =	vsub.f32 $0.0e+00, v7  }
0x30: {  	v6 =	vsub.f32 $0.0e+00, v8;
	[tilespmem:s28+$0x460] =	vst v3;
	v3 =	vld [tilespmem:s28+$0x4D0]  }
0x31: {  	s29 =	simm.s32 $0x400;
	v5 =	vsub.f32 $0.0e+00, v9;
	[tilespmem:s28+$0x470] =	vst v4;
	v4 =	vld [tilespmem:s28+$0x4E0]  }
.LBB2_2:
0x32: {  	s30 =	sshra.s32 s29, $0x2;
	p0 =	sne.s32 s29, $0xBC00;
	[tilespmem:s28+$0x480] =	vst v6;
	v1 =	vsub.f32 $0.0e+00, v1;
	v6 =	vld [tilespmem:s28+$0x4F0]  }
0x33: {  	v7 =	vld [tilespmem:s30+$0x400];
	[tilespmem:s28+$0x490] =	vst v5;
	v0 =	vsub.f32 $0.0e+00, v0  }
0x34: {  	v5 =	vld [tilespmem:s30+$0x410];
	[tilespmem:s28+$0x4A0] =	vst v1;
	v1 =	vsub.f32 $0.0e+00, v2  }
0x35: {  	v2 =	vld [tilespmem:s30+$0x420];
	[tilespmem:s28+$0x4B0] =	vst v0;
	v0 =	vsub.f32 $0.0e+00, v3  }
0x36: {  	v3 =	vld [tilespmem:s30+$0x430];
	[tilespmem:s28+$0x4C0] =	vst v1;
	v1 =	vsub.f32 $0.0e+00, v4  }
0x37: {  	v4 =	vld [tilespmem:s30+$0x440];
	[tilespmem:s28+$0x4D0] =	vst v0;
	v0 =	vsub.f32 $0.0e+00, v6  }
0x38: {  	v6 =	vsub.f32 $0.0e+00, v7;
	v7 =	vld [tilespmem:s30+$0x450];
	[tilespmem:s28+$0x4E0] =	vst v1  }
0x39: {  	v1 =	vsub.f32 $0.0e+00, v5;
	v5 =	vld [tilespmem:s30+$0x460];
	[tilespmem:s28+$0x4F0] =	vst v0;
	s28 =	smov.u32 s30  }
0x3a: {  	[tilespmem:s28+$0x400] =	vst v6;
	v0 =	vsub.f32 $0.0e+00, v2;
	v2 =	vld [tilespmem:s28+$0x470]  }
0x3b: {  	[tilespmem:s28+$0x410] =	vst v1;
	v1 =	vsub.f32 $0.0e+00, v3;
	v3 =	vld [tilespmem:s28+$0x480]  }
0x3c: {  	[tilespmem:s28+$0x420] =	vst v0;
	v0 =	vsub.f32 $0.0e+00, v4;
	v4 =	vld [tilespmem:s28+$0x490]  }
.Ltmp0:
0x3d: {  	[tilespmem:s28+$0x430] =	vst v1;
	v6 =	vsub.f32 $0.0e+00, v7;
	v1 =	vld [tilespmem:s28+$0x4A0];
	(pc) =	sbr.rel @p0 .LBB2_2-.Ltmp0, $4  }
0x3e: {  	[tilespmem:s28+$0x440] =	vst v0;
	v5 =	vsub.f32 $0.0e+00, v5;
	v0 =	vld [tilespmem:s28+$0x4B0]  }
0x3f: {  	[tilespmem:s28+$0x450] =	vst v6;
	v7 =	vsub.f32 $0.0e+00, v2;
	v2 =	vld [tilespmem:s28+$0x4C0]  }
0x40: {  	[tilespmem:s28+$0x460] =	vst v5;
	v6 =	vsub.f32 $0.0e+00, v3;
	v3 =	vld [tilespmem:s28+$0x4D0]  }
0x41: {  	s29 =	sadd.s32 $0x400, s29;
	[tilespmem:s28+$0x470] =	vst v7;
	v5 =	vsub.f32 $0.0e+00, v4;
	v4 =	vld [tilespmem:s28+$0x4E0]  }
0x42: {  	[tilespmem:s28+$0x480] =	vst v6;
	v1 =	vsub.f32 $0.0e+00, v1;
	v6 =	vld [tilespmem:s28+$0x4F0]  }
0x43: {  	[tilespmem:s28+$0x490] =	vst v5;
	v0 =	vsub.f32 $0.0e+00, v0  }
0x44: {  	[tilespmem:s28+$0x4A0] =	vst v1;
	v1 =	vsub.f32 $0.0e+00, v2  }
0x45: {  	[tilespmem:s28+$0x4B0] =	vst v0;
	v0 =	vsub.f32 $0.0e+00, v3  }
0x46: {  	[tilespmem:s28+$0x4C0] =	vst v1;
	v1 =	vsub.f32 $0.0e+00, v4  }
0x47: {  	[tilespmem:s28+$0x4D0] =	vst v0;
	v0 =	vsub.f32 $0.0e+00, v6  }
0x48: {  	[tilespmem:s28+$0x4E0] =	vst v1  }
0x49: {  	[tilespmem:s28+$0x4F0] =	vst v0  }
0x4a: {  	[tilespmem:s13], [sflag:$0x2] =	stream.indirect.gather.add.f32 [hbm:s1], $0x80, s10, s12, $0xb8;
	[tilespmem:$0x10400] =	vst v63  }
0x4b: {  	_ =	swait.ge [sflag:s19], $0x5000  }
0x4c: {  	[sflag:s19] =	ssyncset.done $0x0  }
0x4d: {  	s28 =	simm.s32 $0x0;
	[sflag:s19] =	ssyncadd.s32 $0xFFFFB000  }
0x4e: {  	v0 =	vld [tilespmem:s28+$0x3400]  }
0x4f: {  	v1 =	vld [tilespmem:s28+$0x3410]  }
0x50: {  	v2 =	vld [tilespmem:s28+$0x3420]  }
0x51: {  	v3 =	vld [tilespmem:s28+$0x3430]  }
0x52: {  	v4 =	vld [tilespmem:s28+$0x3440]  }
0x53: {  	v5 =	vld [tilespmem:s28+$0x3450];
	v0 =	vsub.f32 $0.0e+00, v0  }
0x54: {  	v6 =	vld [tilespmem:s28+$0x3460];
	v1 =	vsub.f32 $0.0e+00, v1  }
0x55: {  	v7 =	vld [tilespmem:s28+$0x3470];
	[tilespmem:s28+$0x3400] =	vst v0;
	v0 =	vsub.f32 $0.0e+00, v2  }
0x56: {  	v8 =	vld [tilespmem:s28+$0x3480];
	[tilespmem:s28+$0x3410] =	vst v1;
	v1 =	vsub.f32 $0.0e+00, v3  }
0x57: {  	v9 =	vld [tilespmem:s28+$0x3490];
	[tilespmem:s28+$0x3420] =	vst v0;
	v0 =	vsub.f32 $0.0e+00, v4  }
0x58: {  	v2 =	vsub.f32 $0.0e+00, v5;
	[tilespmem:s28+$0x3430] =	vst v1;
	v1 =	vld [tilespmem:s28+$0x34A0]  }
0x59: {  	v3 =	vsub.f32 $0.0e+00, v6;
	[tilespmem:s28+$0x3440] =	vst v0;
	v0 =	vld [tilespmem:s28+$0x34B0]  }
0x5a: {  	[tilespmem:s28+$0x3450] =	vst v2;
	v2 =	vld [tilespmem:s28+$0x34C0];
	v4 =	vsub.f32 $0.0e+00, v7  }
0x5b: {  	v6 =	vsub.f32 $0.0e+00, v8;
	[tilespmem:s28+$0x3460] =	vst v3;
	v3 =	vld [tilespmem:s28+$0x34D0]  }
0x5c: {  	s29 =	simm.s32 $0x400;
	v5 =	vsub.f32 $0.0e+00, v9;
	[tilespmem:s28+$0x3470] =	vst v4;
	v4 =	vld [tilespmem:s28+$0x34E0]  }
.LBB2_4:
0x5d: {  	s30 =	sshra.s32 s29, $0x2;
	p0 =	sne.s32 s29, $0x13C00;
	[tilespmem:s28+$0x3480] =	vst v6;
	v1 =	vsub.f32 $0.0e+00, v1;
	v6 =	vld [tilespmem:s28+$0x34F0]  }
0x5e: {  	v7 =	vld [tilespmem:s30+$0x3400];
	[tilespmem:s28+$0x3490] =	vst v5;
	v0 =	vsub.f32 $0.0e+00, v0  }
0x5f: {  	v5 =	vld [tilespmem:s30+$0x3410];
	[tilespmem:s28+$0x34A0] =	vst v1;
	v1 =	vsub.f32 $0.0e+00, v2  }
0x60: {  	v2 =	vld [tilespmem:s30+$0x3420];
	[tilespmem:s28+$0x34B0] =	vst v0;
	v0 =	vsub.f32 $0.0e+00, v3  }
0x61: {  	v3 =	vld [tilespmem:s30+$0x3430];
	[tilespmem:s28+$0x34C0] =	vst v1;
	v1 =	vsub.f32 $0.0e+00, v4  }
0x62: {  	v4 =	vld [tilespmem:s30+$0x3440];
	[tilespmem:s28+$0x34D0] =	vst v0;
	v0 =	vsub.f32 $0.0e+00, v6  }
0x63: {  	v6 =	vsub.f32 $0.0e+00, v7;
	v7 =	vld [tilespmem:s30+$0x3450];
	[tilespmem:s28+$0x34E0] =	vst v1  }
0x64: {  	v1 =	vsub.f32 $0.0e+00, v5;
	v5 =	vld [tilespmem:s30+$0x3460];
	[tilespmem:s28+$0x34F0] =	vst v0;
	s28 =	smov.u32 s30  }
0x65: {  	[tilespmem:s28+$0x3400] =	vst v6;
	v0 =	vsub.f32 $0.0e+00, v2;
	v2 =	vld [tilespmem:s28+$0x3470]  }
0x66: {  	[tilespmem:s28+$0x3410] =	vst v1;
	v1 =	vsub.f32 $0.0e+00, v3;
	v3 =	vld [tilespmem:s28+$0x3480]  }
0x67: {  	[tilespmem:s28+$0x3420] =	vst v0;
	v0 =	vsub.f32 $0.0e+00, v4;
	v4 =	vld [tilespmem:s28+$0x3490]  }
.Ltmp1:
0x68: {  	[tilespmem:s28+$0x3430] =	vst v1;
	v6 =	vsub.f32 $0.0e+00, v7;
	v1 =	vld [tilespmem:s28+$0x34A0];
	(pc) =	sbr.rel @p0 .LBB2_4-.Ltmp1, $4  }
0x69: {  	[tilespmem:s28+$0x3440] =	vst v0;
	v5 =	vsub.f32 $0.0e+00, v5;
	v0 =	vld [tilespmem:s28+$0x34B0]  }
0x6a: {  	[tilespmem:s28+$0x3450] =	vst v6;
	v7 =	vsub.f32 $0.0e+00, v2;
	v2 =	vld [tilespmem:s28+$0x34C0]  }
0x6b: {  	[tilespmem:s28+$0x3460] =	vst v5;
	v6 =	vsub.f32 $0.0e+00, v3;
	v3 =	vld [tilespmem:s28+$0x34D0]  }
0x6c: {  	s29 =	sadd.s32 $0x400, s29;
	[tilespmem:s28+$0x3470] =	vst v7;
	v5 =	vsub.f32 $0.0e+00, v4;
	v4 =	vld [tilespmem:s28+$0x34E0]  }
0x6d: {  	[tilespmem:s28+$0x3480] =	vst v6;
	v1 =	vsub.f32 $0.0e+00, v1;
	v6 =	vld [tilespmem:s28+$0x34F0]  }
0x6e: {  	[tilespmem:s28+$0x3490] =	vst v5;
	v0 =	vsub.f32 $0.0e+00, v0  }
0x6f: {  	[tilespmem:s28+$0x34A0] =	vst v1;
	v1 =	vsub.f32 $0.0e+00, v2  }
0x70: {  	[tilespmem:s28+$0x34B0] =	vst v0;
	v0 =	vsub.f32 $0.0e+00, v3  }
0x71: {  	[tilespmem:s28+$0x34C0] =	vst v1;
	v1 =	vsub.f32 $0.0e+00, v4  }
0x72: {  	[tilespmem:s28+$0x34D0] =	vst v0;
	v0 =	vsub.f32 $0.0e+00, v6  }
0x73: {  	[tilespmem:s28+$0x34E0] =	vst v1  }
0x74: {  	[tilespmem:s28+$0x34F0] =	vst v0  }
0x75: {  	[tilespmem:s15], [sflag:$0x3] =	stream.indirect.gather.add.f32 [hbm:s1], $0x80, s20, s14, $0xb8;
	[tilespmem:$0x10400] =	vst v63  }
0x76: {  	_ =	swait.ge [sflag:s18], $0x3000  }
0x77: {  	[sflag:s18] =	ssyncset.done $0x0  }
0x78: {  	s28 =	simm.s32 $0x0;
	[sflag:s18] =	ssyncadd.s32 $0xFFFFD000  }
0x79: {  	[hbm4b:s5+s28] =	stream.linear.scatter [tilespmem:s13], [sflag:$0x5], $0x3000, $0x38;
	[tilespmem:$0x10400] =	vst v63  }
0x7a: {  	_ =	swait.ge [sflag:s21], $0x8000  }
0x7b: {  	[sflag:s21] =	ssyncset.done $0x0  }
0x7c: {  	s28 =	simm.s32 $0x0;
	[sflag:s21] =	ssyncadd.s32 $0xFFFF8000  }
0x7d: {  	v0 =	vld [tilespmem:s28+$0x8400]  }
0x7e: {  	v1 =	vld [tilespmem:s28+$0x8410]  }
0x7f: {  	v2 =	vld [tilespmem:s28+$0x8420]  }
0x80: {  	v3 =	vld [tilespmem:s28+$0x8430]  }
0x81: {  	v4 =	vld [tilespmem:s28+$0x8440]  }
0x82: {  	v5 =	vld [tilespmem:s28+$0x8450];
	v0 =	vsub.f32 $0.0e+00, v0  }
0x83: {  	v6 =	vld [tilespmem:s28+$0x8460];
	v1 =	vsub.f32 $0.0e+00, v1  }
0x84: {  	v7 =	vld [tilespmem:s28+$0x8470];
	[tilespmem:s28+$0x8400] =	vst v0;
	v0 =	vsub.f32 $0.0e+00, v2  }
0x85: {  	v8 =	vld [tilespmem:s28+$0x8480];
	[tilespmem:s28+$0x8410] =	vst v1;
	v1 =	vsub.f32 $0.0e+00, v3  }
0x86: {  	v9 =	vld [tilespmem:s28+$0x8490];
	[tilespmem:s28+$0x8420] =	vst v0;
	v0 =	vsub.f32 $0.0e+00, v4  }
0x87: {  	v2 =	vsub.f32 $0.0e+00, v5;
	[tilespmem:s28+$0x8430] =	vst v1;
	v1 =	vld [tilespmem:s28+$0x84A0]  }
0x88: {  	v3 =	vsub.f32 $0.0e+00, v6;
	[tilespmem:s28+$0x8440] =	vst v0;
	v0 =	vld [tilespmem:s28+$0x84B0]  }
0x89: {  	[tilespmem:s28+$0x8450] =	vst v2;
	v2 =	vld [tilespmem:s28+$0x84C0];
	v4 =	vsub.f32 $0.0e+00, v7  }
0x8a: {  	v6 =	vsub.f32 $0.0e+00, v8;
	[tilespmem:s28+$0x8460] =	vst v3;
	v3 =	vld [tilespmem:s28+$0x84D0]  }
0x8b: {  	s29 =	simm.s32 $0x400;
	v5 =	vsub.f32 $0.0e+00, v9;
	[tilespmem:s28+$0x8470] =	vst v4;
	v4 =	vld [tilespmem:s28+$0x84E0]  }
.LBB2_6:
0x8c: {  	s30 =	sshra.s32 s29, $0x2;
	p0 =	sne.s32 s29, $0x1FC00;
	[tilespmem:s28+$0x8480] =	vst v6;
	v1 =	vsub.f32 $0.0e+00, v1;
	v6 =	vld [tilespmem:s28+$0x84F0]  }
0x8d: {  	v7 =	vld [tilespmem:s30+$0x8400];
	[tilespmem:s28+$0x8490] =	vst v5;
	v0 =	vsub.f32 $0.0e+00, v0  }
0x8e: {  	v5 =	vld [tilespmem:s30+$0x8410];
	[tilespmem:s28+$0x84A0] =	vst v1;
	v1 =	vsub.f32 $0.0e+00, v2  }
0x8f: {  	v2 =	vld [tilespmem:s30+$0x8420];
	[tilespmem:s28+$0x84B0] =	vst v0;
	v0 =	vsub.f32 $0.0e+00, v3  }
0x90: {  	v3 =	vld [tilespmem:s30+$0x8430];
	[tilespmem:s28+$0x84C0] =	vst v1;
	v1 =	vsub.f32 $0.0e+00, v4  }
0x91: {  	v4 =	vld [tilespmem:s30+$0x8440];
	[tilespmem:s28+$0x84D0] =	vst v0;
	v0 =	vsub.f32 $0.0e+00, v6  }
0x92: {  	v6 =	vsub.f32 $0.0e+00, v7;
	v7 =	vld [tilespmem:s30+$0x8450];
	[tilespmem:s28+$0x84E0] =	vst v1  }
0x93: {  	v1 =	vsub.f32 $0.0e+00, v5;
	v5 =	vld [tilespmem:s30+$0x8460];
	[tilespmem:s28+$0x84F0] =	vst v0;
	s28 =	smov.u32 s30  }
0x94: {  	[tilespmem:s28+$0x8400] =	vst v6;
	v0 =	vsub.f32 $0.0e+00, v2;
	v2 =	vld [tilespmem:s28+$0x8470]  }
0x95: {  	[tilespmem:s28+$0x8410] =	vst v1;
	v1 =	vsub.f32 $0.0e+00, v3;
	v3 =	vld [tilespmem:s28+$0x8480]  }
0x96: {  	[tilespmem:s28+$0x8420] =	vst v0;
	v0 =	vsub.f32 $0.0e+00, v4;
	v4 =	vld [tilespmem:s28+$0x8490]  }
.Ltmp2:
0x97: {  	[tilespmem:s28+$0x8430] =	vst v1;
	v6 =	vsub.f32 $0.0e+00, v7;
	v1 =	vld [tilespmem:s28+$0x84A0];
	(pc) =	sbr.rel @p0 .LBB2_6-.Ltmp2, $4  }
0x98: {  	[tilespmem:s28+$0x8440] =	vst v0;
	v5 =	vsub.f32 $0.0e+00, v5;
	v0 =	vld [tilespmem:s28+$0x84B0]  }
0x99: {  	[tilespmem:s28+$0x8450] =	vst v6;
	v7 =	vsub.f32 $0.0e+00, v2;
	v2 =	vld [tilespmem:s28+$0x84C0]  }
0x9a: {  	[tilespmem:s28+$0x8460] =	vst v5;
	v6 =	vsub.f32 $0.0e+00, v3;
	v3 =	vld [tilespmem:s28+$0x84D0]  }
0x9b: {  	s29 =	sadd.s32 $0x400, s29;
	[tilespmem:s28+$0x8470] =	vst v7;
	v5 =	vsub.f32 $0.0e+00, v4;
	v4 =	vld [tilespmem:s28+$0x84E0]  }
0x9c: {  	[tilespmem:s28+$0x8480] =	vst v6;
	v1 =	vsub.f32 $0.0e+00, v1;
	v59 =	vld [tilespmem:s28+$0x84F0]  }
0x9d: {  	[tilespmem:s28+$0x8490] =	vst v5;
	v0 =	vsub.f32 $0.0e+00, v0  }
0x9e: {  	[tilespmem:s28+$0x84A0] =	vst v1;
	v60 =	vsub.f32 $0.0e+00, v2  }
0x9f: {  	[tilespmem:s28+$0x84B0] =	vst v0;
	v61 =	vsub.f32 $0.0e+00, v3  }
0xa0: {  	[tilespmem:s28+$0x84C0] =	vst v60;
	v62 =	vsub.f32 $0.0e+00, v4  }
0xa1: {  	[tilespmem:s28+$0x84D0] =	vst v61;
	v63 =	vsub.f32 $0.0e+00, v59  }
0xa2: {  	[tilespmem:s28+$0x84E0] =	vst v62  }
0xa3: {  	[tilespmem:s28+$0x84F0] =	vst v63  }
0xa4: {  	[tilespmem:s17], [sflag:$0x4] =	stream.indirect.gather.add.f32 [hbm:s1], $0x80, s22, s16, $0xb8;
	[tilespmem:$0x10400] =	vst v63  }
0xa5: {  	_ =	swait.ge [sflag:s19], $0x5000  }
0xa6: {  	[sflag:s19] =	ssyncset.done $0x0  }
0xa7: {  	[sflag:s19] =	ssyncadd.s32 $0xFFFFB000  }
0xa8: {  	[hbm4b:s7+s3] =	stream.linear.scatter [tilespmem:s15], [sflag:$0x6], $0x5000, $0x38;
	[tilespmem:$0x10400] =	vst v63  }
0xa9: {  	_ =	swait.ge [sflag:s21], $0x8000  }
0xaa: {  	[sflag:s21] =	ssyncset.done $0x0  }
0xab: {  	[sflag:s21] =	ssyncadd.s32 $0xFFFF8000  }
0xac: {  	[hbm4b:s8+s3] =	stream.linear.scatter [tilespmem:s17], [sflag:$0x7], $0x8000, $0x38;
	[tilespmem:$0x10400] =	vst v63  }
0xad: {  	_ =	swait.ge [sflag:s23], $0x3000  }
0xae: {  	[sflag:s23] =	ssyncset.done $0x0  }
0xaf: {  	s26 =	sadd.s32 $0x1, s26;
	[sflag:s23] =	ssyncadd.s32 $0xFFFFD000  }
0xb0: {  	p0 =	sne.s32 s26, s9;
	_ =	swait.ge [sflag:s24], $0x5000  }
.Ltmp3:
0xb1: {  	[sflag:s24] =	ssyncset.done $0x0;
	(pc) =	sbr.rel @p0 .LBB2_1-.Ltmp3, $4  }
0xb2: {  	[sflag:s24] =	ssyncadd.s32 $0xFFFFB000  }
0xb3: {  	_ =	swait.ge [sflag:s25], $0x8000  }
0xb4: {  	[sflag:s25] =	ssyncset.done $0x0  }
0xb5: {  	[sflag:s25] =	ssyncadd.s32 $0xFFFF8000  }
0xb6: {  	_ =	sfence.sel $0x180000  }
0xb7: {  	[bflag:$0x0] =	sbarrier.arrive $0xFFFF  }
0xb8: {  	p0 =	sne.s32 s2, $0x0;
	_ =	strace $0x90000047  }
0xb9: {  	s0 =	sadd.s32 @!p0 $0x100000, s0;
	[bflag:$0x2] =	sbarrier.arrive $0xFFFF  }
0xba: {  	[sflag:s0] =	ssyncadd.tile.s32 @!p0 $0x1;
	_ =	shalt  }
.Lfunc_end2:
_tile_overlayer_lowered:
.L_overlay_start_2:
0xbb: {  	(tag) =	ssettag $0x2  }
0xbc: {  	s0 =	rddreg [dreg:$0x0];
	s2 =	stileid.u32  }
0xbd: {  	s1 =	rddreg [dreg:$0x1];
	p0 =	sne.s32 s2, $0x0  }
0xbe: {  	s3 =	rddreg [dreg:$0x2];
	[bflag:$0x3] =	sbarrier.arrive $0xFFFF;
	s2 =	simm.s32 @!p0 $0x1C08  }
0xbf: {  	[timem:s3], [sflag:s2] =	dma.local @!p0 [hbm:s0], s1  }
0xc0: {  	s0 =	simm.s32 @!p0 $0x8  }
0xc1: {  	_ =	swait.ge @!p0 [sflag:s0], s1  }
0xc2: {  	s1 =	ssub.s32 @!p0 $0x0, s1;
	[sflag:s0] =	ssyncset.done @!p0 $0x0  }
0xc3: {  	[sflag:s0] =	ssyncadd.s32 @!p0 s1  }
0xc4: {  	[bflag:$0x3] =	sbarrier.arrive $0xFFFF  }
0xc5: {  	_ =	shalt  }

</sc_bundles>
